<compile_context>
chip_gen: v7x
topology: tpu7x:2x2x1
jax: 0.10.2.dev20260603
libtpu: 0.0.44.dev20260713+nightly
codegen_flags: <defaults>
</compile_context>

<pallas_src>
import functools
import math

import jax
import jax.numpy as jnp
from jax import lax
from jax.experimental import pallas as pl
from jax.experimental.pallas import tpu as pltpu
from jax.experimental.pallas import tpu_sc as plsc

NC = 2
NS = 16
NW = NC * NS
L = 16
C = 64


@functools.cache
def _build(B, S, V, D):
    rows = B * S
    rpw = rows // NW
    nch = rpw // C
    wpb = NW // B
    nsl = wpb // NC
    inv = 1.0 / math.sqrt(D)
    nj = D // L

    mesh = plsc.VectorSubcoreMesh(core_axis_name="c", subcore_axis_name="s")

    @functools.partial(
        pl.kernel,
        mesh=mesh,
        out_type=jax.ShapeDtypeStruct((rows, D), jnp.float32),
        scratch_types=[
            pltpu.VMEM((rpw,), jnp.int32),
            pltpu.VMEM((rpw, D), jnp.float32),
            pltpu.VMEM((rpw, D), jnp.float32),
            pltpu.VMEM((L,), jnp.float32),
            pltpu.VMEM((D,), jnp.float32),
            pltpu.VMEM_SHARED((nsl * rpw, D), jnp.float32),
            *([pltpu.SemaphoreType.DMA] * nch),
            *([pltpu.SemaphoreType.DMA] * nch),
            pltpu.SemaphoreType.DMA,
            pltpu.SemaphoreType.DMA,
            pltpu.SemaphoreType.DMA,
        ],
    )
    def sc_kernel(x_hbm, table_hbm, pos_hbm, kp_hbm, kw_hbm, out_hbm,
                  idx_v, rows_v, pos_v, kp_v, kw_v, pos_sh, *sems):
        gsem = sems[:nch]
        psem = sems[nch:2 * nch]
        ksem = sems[2 * nch]
        ssem = sems[2 * nch + 1]
        osem = sems[2 * nch + 2]

        cid = lax.axis_index("c")
        sid = lax.axis_index("s")
        wid = sid * NC + cid
        base = wid * rpw
        b = wid // wpb
        soff = (wid % wpb) * rpw

        pltpu.sync_copy(x_hbm.at[b, pl.ds(soff, rpw)], idx_v)
        gcp = []
        for c in range(nch):
            gcp.append(pltpu.async_copy(
                table_hbm.at[idx_v.at[pl.ds(c * C, C)]],
                rows_v.at[pl.ds(c * C, C), :], gsem[c]))

        parts = NS // nsl
        prows = rpw // parts
        k = sid % nsl
        p = sid // nsl
        ks0 = ((2 * k + cid) % wpb) * rpw
        scp = pltpu.async_copy(
            pos_hbm.at[pl.ds(ks0 + p * prows, prows), :],
            pos_sh.at[pl.ds(k * rpw + p * prows, prows), :], ssem)

        kcp = pltpu.async_copy(kp_hbm.at[b], kp_v, ksem)
        kwcp = pltpu.async_copy(kw_hbm, kw_v, ksem)
        scp.wait()
        plsc.subcore_barrier()

        ssl = k * rpw
        pcp = []
        for c in range(nch):
            pcp.append(pltpu.async_copy(
                pos_sh.at[pl.ds(ssl + c * C, C), :],
                pos_v.at[pl.ds(c * C, C), :], psem[c]))

        kcp.wait()
        kwcp.wait()
        kpb = kp_v[...]
        bias = [(kpb * kw_v[pl.ds(j * L, L)]) * inv for j in range(nj)]

        ocp = []
        for c in range(nch):
            gcp[c].wait()
            pcp[c].wait()

            def body(r, carry):
                for j in range(nj):
                    sl = pl.ds(j * L, L)
                    rows_v[r, sl] = (rows_v[r, sl]
                                     + pos_v[r, sl] * inv
                                     + bias[j])
                return carry

            lax.fori_loop(c * C, (c + 1) * C, body, 0)
            ocp.append(pltpu.async_copy(
                rows_v.at[pl.ds(c * C, C), :],
                out_hbm.at[pl.ds(base + c * C, C), :], osem))
        for cp in ocp:
            cp.wait()

    return sc_kernel


@jax.jit
def kernel(x, kmer_pos, word_table, pos_table, kmer_w):
    B, S = x.shape
    V, D = word_table.shape

    kp16 = jnp.broadcast_to(kmer_pos.astype(jnp.float32), (B, L))
    kw_flat = kmer_w[:, 0].astype(jnp.float32)

    out = _build(B, S, V, D)(x.astype(jnp.int32), word_table, pos_table,
                             kp16, kw_flat)
    return out.reshape(B, S, D)

# --- scband reference (transcript-rebuilt; emitter-appended) ---
"""Pipeline reference for scband-transformer-kmer2-kmer-embedding-42245298323689 (READ-ONLY COPY).

The authoritative reference and input builder live on the scoring server;
editing this copy changes nothing except your own understanding.
"""

import jax, jax.numpy as jnp
import numpy as np

VOCAB = 1000000
N_EMBD = 128
BATCH = 4
SEQ = 2048

def setup_inputs(seed: int = 0) -> dict:
    key = jax.random.key(seed)
    k1, k2, k3, k4, k5 = jax.random.split(key, 5)
    x = jax.random.randint(k1, (BATCH, SEQ), 0, VOCAB, dtype=jnp.int64 if jax.config.jax_enable_x64 else jnp.int32)
    kmer_pos = jax.random.uniform(k2, (BATCH, 1), dtype=jnp.float32)
    word_table = jax.random.normal(k3, (VOCAB, N_EMBD), dtype=jnp.float32) * 0.02
    pos_table = jax.random.normal(k4, (SEQ, N_EMBD), dtype=jnp.float32) * 0.02
    kmer_w = jax.random.normal(k5, (N_EMBD, 1), dtype=jnp.float32) * 0.02  # nn.Linear(1, n_embd, bias=False) weight [out,in]
    return {"x": x, "kmer_pos": kmer_pos, "word_table": word_table, "pos_table": pos_table, "kmer_w": kmer_w}

def reference(x, kmer_pos, word_table, pos_table, kmer_w):
    n_embd = word_table.shape[1]
    seq_len = x.shape[1]
    sqrt_d = float(np.sqrt(n_embd))
    # word embedding lookup (gather)
    we = jnp.take(word_table, x, axis=0)  # [B, S, D]
    # absolute positional embedding: gather positions 0..S-1, scaled by 1/sqrt(n_embd)
    pe = jnp.take(pos_table, jnp.arange(seq_len), axis=0)[None, :, :]  # [1, S, D]
    tmp_out = we + pe / sqrt_d
    # kmer position projection: Linear(1, n_embd, bias=False) -> [B, D], broadcast over seq
    kp = kmer_pos.astype(tmp_out.dtype) @ kmer_w.T  # [B, D]
    tmp_out = tmp_out + kp[:, None, :] / sqrt_d
    # dropout is identity in eval mode
    return tmp_out

if __name__ == "__main__":
    import jax
    _d = setup_inputs()
    print(jax.jit(kernel)(*tuple(_d.values())))

</pallas_src>

<mosaic_0001>
#map = affine_map<(d0, d1) -> (0, 0)>
#map1 = affine_map<(d0, d1) -> (0)>
module attributes {stable_mosaic.version = 14 : i64} {
  func.func @sc_kernel(%arg0: i32, %arg1: i32, %arg2: memref<4x2048xi32, #tpu.memory_space<hbm>>, %arg3: memref<1000000x128xf32, #tpu.memory_space<hbm>>, %arg4: memref<2048x128xf32, #tpu.memory_space<hbm>>, %arg5: memref<4x16xf32, #tpu.memory_space<hbm>>, %arg6: memref<128xf32, #tpu.memory_space<hbm>>, %arg7: memref<8192x128xf32, #tpu.memory_space<hbm>>, %arg8: memref<256xi32, #tpu.memory_space<vmem>>, %arg9: memref<256x128xf32, #tpu.memory_space<vmem>>, %arg10: memref<256x128xf32, #tpu.memory_space<vmem>>, %arg11: memref<16xf32, #tpu.memory_space<vmem>>, %arg12: memref<128xf32, #tpu.memory_space<vmem>>, %arg13: memref<1024x128xf32, #tpu.memory_space<vmem_shared>>, %arg14: memref<!tpu.dma_semaphore, #tpu.memory_space<semaphore_mem>>, %arg15: memref<!tpu.dma_semaphore, #tpu.memory_space<semaphore_mem>>, %arg16: memref<!tpu.dma_semaphore, #tpu.memory_space<semaphore_mem>>, %arg17: memref<!tpu.dma_semaphore, #tpu.memory_space<semaphore_mem>>, %arg18: memref<!tpu.dma_semaphore, #tpu.memory_space<semaphore_mem>>, %arg19: memref<!tpu.dma_semaphore, #tpu.memory_space<semaphore_mem>>, %arg20: memref<!tpu.dma_semaphore, #tpu.memory_space<semaphore_mem>>, %arg21: memref<!tpu.dma_semaphore, #tpu.memory_space<semaphore_mem>>, %arg22: memref<!tpu.dma_semaphore, #tpu.memory_space<semaphore_mem>>, %arg23: memref<!tpu.dma_semaphore, #tpu.memory_space<semaphore_mem>>, %arg24: memref<!tpu.dma_semaphore, #tpu.memory_space<semaphore_mem>>) attributes {dimension_semantics = [#tpu.dimension_semantics<core_parallel>, #tpu.dimension_semantics<subcore_parallel>], iteration_bounds = array<i64: 2, 16>, scalar_prefetch = 0 : i64, scratch_operands = 17 : i64, tpu.core_type = #tpu.core_type<sc_vector_subcore>, window_params = [{transform_indices = #map}, {transform_indices = #map}, {transform_indices = #map}, {transform_indices = #map}, {transform_indices = #map1}, {transform_indices = #map}]} {
    %mul3A = arith.constant 2 : i32
    %mul3A_0 = arith.muli %arg1, %mul3A : i32
    %add3A = arith.addi %mul3A_0, %arg0 : i32
    %mul3A_1 = arith.constant 256 : i32
    %mul3A_2 = arith.muli %add3A, %mul3A_1 : i32
    %jit3A = arith.constant 8 : i32
    %div3A = arith.divsi %add3A, %jit3A : i32
    %sign3A = arith.constant 0 : i32
    %sign3A_3 = arith.cmpi sgt, %add3A, %sign3A : i32
    %sign3A_4 = arith.extui %sign3A_3 : i1 to i32
    %sign3A_5 = arith.constant 0 : i32
    %sign3A_6 = arith.cmpi slt, %add3A, %sign3A_5 : i32
    %sign3A_7 = arith.extui %sign3A_6 : i1 to i32
    %sign3A_8 = arith.subi %sign3A_4, %sign3A_7 : i32
    %sign3A_9 = arith.constant 0 : i32
    %sign3A_10 = arith.cmpi sgt, %jit3A, %sign3A_9 : i32
    %sign3A_11 = arith.extui %sign3A_10 : i1 to i32
    %sign3A_12 = arith.constant 0 : i32
    %sign3A_13 = arith.cmpi slt, %jit3A, %sign3A_12 : i32
    %sign3A_14 = arith.extui %sign3A_13 : i1 to i32
    %sign3A_15 = arith.subi %sign3A_11, %sign3A_14 : i32
    %ne3A = arith.cmpi ne, %sign3A_8, %sign3A_15 : i32
    %rem3A = arith.remsi %add3A, %jit3A : i32
    %ne3A_16 = arith.constant 0 : i32
    %ne3A_17 = arith.cmpi ne, %rem3A, %ne3A_16 : i32
    %and3A = arith.andi %ne3A, %ne3A_17 : i1
    %sub3A = arith.constant 1 : i32
    %sub3A_18 = arith.subi %div3A, %sub3A : i32
    %select_n3A = arith.select %and3A, %sub3A_18, %div3A : i32
    %jit3A_19 = arith.constant 8 : i32
    %eq3A = arith.constant 0 : i32
    %eq3A_20 = arith.cmpi eq, %jit3A_19, %eq3A : i32
    %jit3A_21 = arith.constant 1 : i32
    %select_n3A_22 = arith.select %eq3A_20, %jit3A_21, %jit3A_19 : i32
    %rem3A_23 = arith.remsi %add3A, %select_n3A_22 : i32
    %ne3A_24 = arith.constant 0 : i32
    %ne3A_25 = arith.cmpi ne, %rem3A_23, %ne3A_24 : i32
    %lt3A = arith.constant 0 : i32
    %lt3A_26 = arith.cmpi slt, %rem3A_23, %lt3A : i32
    %lt3A_27 = arith.constant 0 : i32
    %lt3A_28 = arith.cmpi slt, %select_n3A_22, %lt3A_27 : i32
    %ne3A_29 = arith.xori %lt3A_26, %lt3A_28 : i1
    %and3A_30 = arith.andi %ne3A_29, %ne3A_25 : i1
    %add3A_31 = arith.addi %rem3A_23, %select_n3A_22 : i32
    %select_n3A_32 = arith.select %and3A_30, %add3A_31, %rem3A_23 : i32
    %mul3A_33 = arith.constant 256 : i32
    %mul3A_34 = arith.muli %select_n3A_32, %mul3A_33 : i32
    "tpu.region"() ({
      %run_scoped3A = tpu.sem_alloc : memref<!tpu.dma_semaphore, #tpu.memory_space<semaphore_mem>>
      %dma_start3A_445 = tpu.memref_slice %arg2[%select_n3A, %mul3A_34] : memref<4x2048xi32, #tpu.memory_space<hbm>> -> memref<1x256xi32, #tpu.memory_space<hbm>>
      %dma_start3A_446 = tpu.memref_squeeze %dma_start3A_445 : memref<1x256xi32, #tpu.memory_space<hbm>> -> memref<256xi32, #tpu.memory_space<hbm>>
      %dma_start3A_447 = tpu.memref_slice %arg2[%select_n3A, %mul3A_34] : memref<4x2048xi32, #tpu.memory_space<hbm>> -> memref<1x256xi32, #tpu.memory_space<hbm>>
      %dma_start3A_448 = tpu.memref_squeeze %dma_start3A_447 : memref<1x256xi32, #tpu.memory_space<hbm>> -> memref<256xi32, #tpu.memory_space<hbm>>
      tpu.enqueue_dma source(%dma_start3A_448 : memref<256xi32, #tpu.memory_space<hbm>>) target(%arg8 : memref<256xi32, #tpu.memory_space<vmem>>) target_semaphore(%run_scoped3A : memref<!tpu.dma_semaphore, #tpu.memory_space<semaphore_mem>>)
      %dma_wait3A_449 = tpu.memref_slice %arg2[%select_n3A, %mul3A_34] : memref<4x2048xi32, #tpu.memory_space<hbm>> -> memref<1x256xi32, #tpu.memory_space<hbm>>
      %dma_wait3A_450 = tpu.memref_squeeze %dma_wait3A_449 : memref<1x256xi32, #tpu.memory_space<hbm>> -> memref<256xi32, #tpu.memory_space<hbm>>
      %dma_wait3A_451 = tpu.memref_slice %arg2[%select_n3A, %mul3A_34] : memref<4x2048xi32, #tpu.memory_space<hbm>> -> memref<1x256xi32, #tpu.memory_space<hbm>>
      %dma_wait3A_452 = tpu.memref_squeeze %dma_wait3A_451 : memref<1x256xi32, #tpu.memory_space<hbm>> -> memref<256xi32, #tpu.memory_space<hbm>>
      tpu.wait_dma2 semaphore(%run_scoped3A : memref<!tpu.dma_semaphore, #tpu.memory_space<semaphore_mem>>) src(%dma_wait3A_452 : memref<256xi32, #tpu.memory_space<hbm>>) dst(%arg8 : memref<256xi32, #tpu.memory_space<vmem>>)
      tpu.yield
    }) : () -> ()
    %dma_start3A = arith.constant 0 : i32
    %dma_start3A_35 = arith.constant 0 : i32
    %dma_start3A_36 = tpu.memref_slice %arg9[%dma_start3A, %dma_start3A_35] : memref<256x128xf32, #tpu.memory_space<vmem>> -> memref<64x128xf32, #tpu.memory_space<vmem>>
    %dma_start3A_37 = arith.constant 0 : i32
    %dma_start3A_38 = tpu.memref_slice %arg8[%dma_start3A_37] : memref<256xi32, #tpu.memory_space<vmem>> -> memref<64xi32, #tpu.memory_space<vmem>>
    %dma_start3A_39 = arith.constant 0 : i32
    %dma_start3A_40 = arith.constant 0 : i32
    %dma_start3A_41 = tpu.memref_slice %arg3[%dma_start3A_39, %dma_start3A_40] : memref<1000000x128xf32, #tpu.memory_space<hbm>> -> memref<1000000x128xf32, #tpu.memory_space<hbm>>
    tpu.enqueue_indirect_dma source(%dma_start3A_41 : memref<1000000x128xf32, #tpu.memory_space<hbm>>) target(%dma_start3A_36 : memref<64x128xf32, #tpu.memory_space<vmem>>) offsets(%dma_start3A_38 : memref<64xi32, #tpu.memory_space<vmem>>) semaphore(%arg14 : memref<!tpu.dma_semaphore, #tpu.memory_space<semaphore_mem>>)
    %dma_start3A_42 = arith.constant 64 : i32
    %dma_start3A_43 = arith.constant 0 : i32
    %dma_start3A_44 = tpu.memref_slice %arg9[%dma_start3A_42, %dma_start3A_43] : memref<256x128xf32, #tpu.memory_space<vmem>> -> memref<64x128xf32, #tpu.memory_space<vmem>>
    %dma_start3A_45 = arith.constant 64 : i32
    %dma_start3A_46 = tpu.memref_slice %arg8[%dma_start3A_45] : memref<256xi32, #tpu.memory_space<vmem>> -> memref<64xi32, #tpu.memory_space<vmem>>
    %dma_start3A_47 = arith.constant 0 : i32
    %dma_start3A_48 = arith.constant 0 : i32
    %dma_start3A_49 = tpu.memref_slice %arg3[%dma_start3A_47, %dma_start3A_48] : memref<1000000x128xf32, #tpu.memory_space<hbm>> -> memref<1000000x128xf32, #tpu.memory_space<hbm>>
    tpu.enqueue_indirect_dma source(%dma_start3A_49 : memref<1000000x128xf32, #tpu.memory_space<hbm>>) target(%dma_start3A_44 : memref<64x128xf32, #tpu.memory_space<vmem>>) offsets(%dma_start3A_46 : memref<64xi32, #tpu.memory_space<vmem>>) semaphore(%arg15 : memref<!tpu.dma_semaphore, #tpu.memory_space<semaphore_mem>>)
    %dma_start3A_50 = arith.constant 128 : i32
    %dma_start3A_51 = arith.constant 0 : i32
    %dma_start3A_52 = tpu.memref_slice %arg9[%dma_start3A_50, %dma_start3A_51] : memref<256x128xf32, #tpu.memory_space<vmem>> -> memref<64x128xf32, #tpu.memory_space<vmem>>
    %dma_start3A_53 = arith.constant 128 : i32
    %dma_start3A_54 = tpu.memref_slice %arg8[%dma_start3A_53] : memref<256xi32, #tpu.memory_space<vmem>> -> memref<64xi32, #tpu.memory_space<vmem>>
    %dma_start3A_55 = arith.constant 0 : i32
    %dma_start3A_56 = arith.constant 0 : i32
    %dma_start3A_57 = tpu.memref_slice %arg3[%dma_start3A_55, %dma_start3A_56] : memref<1000000x128xf32, #tpu.memory_space<hbm>> -> memref<1000000x128xf32, #tpu.memory_space<hbm>>
    tpu.enqueue_indirect_dma source(%dma_start3A_57 : memref<1000000x128xf32, #tpu.memory_space<hbm>>) target(%dma_start3A_52 : memref<64x128xf32, #tpu.memory_space<vmem>>) offsets(%dma_start3A_54 : memref<64xi32, #tpu.memory_space<vmem>>) semaphore(%arg16 : memref<!tpu.dma_semaphore, #tpu.memory_space<semaphore_mem>>)
    %dma_start3A_58 = arith.constant 192 : i32
    %dma_start3A_59 = arith.constant 0 : i32
    %dma_start3A_60 = tpu.memref_slice %arg9[%dma_start3A_58, %dma_start3A_59] : memref<256x128xf32, #tpu.memory_space<vmem>> -> memref<64x128xf32, #tpu.memory_space<vmem>>
    %dma_start3A_61 = arith.constant 192 : i32
    %dma_start3A_62 = tpu.memref_slice %arg8[%dma_start3A_61] : memref<256xi32, #tpu.memory_space<vmem>> -> memref<64xi32, #tpu.memory_space<vmem>>
    %dma_start3A_63 = arith.constant 0 : i32
    %dma_start3A_64 = arith.constant 0 : i32
    %dma_start3A_65 = tpu.memref_slice %arg3[%dma_start3A_63, %dma_start3A_64] : memref<1000000x128xf32, #tpu.memory_space<hbm>> -> memref<1000000x128xf32, #tpu.memory_space<hbm>>
    tpu.enqueue_indirect_dma source(%dma_start3A_65 : memref<1000000x128xf32, #tpu.memory_space<hbm>>) target(%dma_start3A_60 : memref<64x128xf32, #tpu.memory_space<vmem>>) offsets(%dma_start3A_62 : memref<64xi32, #tpu.memory_space<vmem>>) semaphore(%arg17 : memref<!tpu.dma_semaphore, #tpu.memory_space<semaphore_mem>>)
    %jit3A_66 = arith.constant 4 : i32
    %eq3A_67 = arith.constant 0 : i32
    %eq3A_68 = arith.cmpi eq, %jit3A_66, %eq3A_67 : i32
    %jit3A_69 = arith.constant 1 : i32
    %select_n3A_70 = arith.select %eq3A_68, %jit3A_69, %jit3A_66 : i32
    %rem3A_71 = arith.remsi %arg1, %select_n3A_70 : i32
    %ne3A_72 = arith.constant 0 : i32
    %ne3A_73 = arith.cmpi ne, %rem3A_71, %ne3A_72 : i32
    %lt3A_74 = arith.constant 0 : i32
    %lt3A_75 = arith.cmpi slt, %rem3A_71, %lt3A_74 : i32
    %lt3A_76 = arith.constant 0 : i32
    %lt3A_77 = arith.cmpi slt, %select_n3A_70, %lt3A_76 : i32
    %ne3A_78 = arith.xori %lt3A_75, %lt3A_77 : i1
    %and3A_79 = arith.andi %ne3A_78, %ne3A_73 : i1
    %add3A_80 = arith.addi %rem3A_71, %select_n3A_70 : i32
    %select_n3A_81 = arith.select %and3A_79, %add3A_80, %rem3A_71 : i32
    %jit3A_82 = arith.constant 4 : i32
    %div3A_83 = arith.divsi %arg1, %jit3A_82 : i32
    %sign3A_84 = arith.constant 0 : i32
    %sign3A_85 = arith.cmpi sgt, %arg1, %sign3A_84 : i32
    %sign3A_86 = arith.extui %sign3A_85 : i1 to i32
    %sign3A_87 = arith.constant 0 : i32
    %sign3A_88 = arith.cmpi slt, %arg1, %sign3A_87 : i32
    %sign3A_89 = arith.extui %sign3A_88 : i1 to i32
    %sign3A_90 = arith.subi %sign3A_86, %sign3A_89 : i32
    %sign3A_91 = arith.constant 0 : i32
    %sign3A_92 = arith.cmpi sgt, %jit3A_82, %sign3A_91 : i32
    %sign3A_93 = arith.extui %sign3A_92 : i1 to i32
    %sign3A_94 = arith.constant 0 : i32
    %sign3A_95 = arith.cmpi slt, %jit3A_82, %sign3A_94 : i32
    %sign3A_96 = arith.extui %sign3A_95 : i1 to i32
    %sign3A_97 = arith.subi %sign3A_93, %sign3A_96 : i32
    %ne3A_98 = arith.cmpi ne, %sign3A_90, %sign3A_97 : i32
    %rem3A_99 = arith.remsi %arg1, %jit3A_82 : i32
    %ne3A_100 = arith.constant 0 : i32
    %ne3A_101 = arith.cmpi ne, %rem3A_99, %ne3A_100 : i32
    %and3A_102 = arith.andi %ne3A_98, %ne3A_101 : i1
    %sub3A_103 = arith.constant 1 : i32
    %sub3A_104 = arith.subi %div3A_83, %sub3A_103 : i32
    %select_n3A_105 = arith.select %and3A_102, %sub3A_104, %div3A_83 : i32
    %mul3A_106 = arith.constant 2 : i32
    %mul3A_107 = arith.muli %mul3A_106, %select_n3A_81 : i32
    %add3A_108 = arith.addi %mul3A_107, %arg0 : i32
    %jit3A_109 = arith.constant 8 : i32
    %eq3A_110 = arith.constant 0 : i32
    %eq3A_111 = arith.cmpi eq, %jit3A_109, %eq3A_110 : i32
    %jit3A_112 = arith.constant 1 : i32
    %select_n3A_113 = arith.select %eq3A_111, %jit3A_112, %jit3A_109 : i32
    %rem3A_114 = arith.remsi %add3A_108, %select_n3A_113 : i32
    %ne3A_115 = arith.constant 0 : i32
    %ne3A_116 = arith.cmpi ne, %rem3A_114, %ne3A_115 : i32
    %lt3A_117 = arith.constant 0 : i32
    %lt3A_118 = arith.cmpi slt, %rem3A_114, %lt3A_117 : i32
    %lt3A_119 = arith.constant 0 : i32
    %lt3A_120 = arith.cmpi slt, %select_n3A_113, %lt3A_119 : i32
    %ne3A_121 = arith.xori %lt3A_118, %lt3A_120 : i1
    %and3A_122 = arith.andi %ne3A_121, %ne3A_116 : i1
    %add3A_123 = arith.addi %rem3A_114, %select_n3A_113 : i32
    %select_n3A_124 = arith.select %and3A_122, %add3A_123, %rem3A_114 : i32
    %mul3A_125 = arith.constant 256 : i32
    %mul3A_126 = arith.muli %select_n3A_124, %mul3A_125 : i32
    %mul3A_127 = arith.constant 64 : i32
    %mul3A_128 = arith.muli %select_n3A_105, %mul3A_127 : i32
    %add3A_129 = arith.addi %mul3A_126, %mul3A_128 : i32
    %mul3A_130 = arith.constant 256 : i32
    %mul3A_131 = arith.muli %select_n3A_81, %mul3A_130 : i32
    %mul3A_132 = arith.constant 64 : i32
    %mul3A_133 = arith.muli %select_n3A_105, %mul3A_132 : i32
    %add3A_134 = arith.addi %mul3A_131, %mul3A_133 : i32
    %dma_start3A_135 = arith.constant 0 : i32
    %dma_start3A_136 = tpu.memref_slice %arg13[%add3A_134, %dma_start3A_135] : memref<1024x128xf32, #tpu.memory_space<vmem_shared>> -> memref<64x128xf32, #tpu.memory_space<vmem_shared>>
    %dma_start3A_137 = arith.constant 0 : i32
    %dma_start3A_138 = tpu.memref_slice %arg4[%add3A_129, %dma_start3A_137] : memref<2048x128xf32, #tpu.memory_space<hbm>> -> memref<64x128xf32, #tpu.memory_space<hbm>>
    tpu.enqueue_dma source(%dma_start3A_138 : memref<64x128xf32, #tpu.memory_space<hbm>>) target(%dma_start3A_136 : memref<64x128xf32, #tpu.memory_space<vmem_shared>>) target_semaphore(%arg23 : memref<!tpu.dma_semaphore, #tpu.memory_space<semaphore_mem>>)
    %dma_start3A_139 = arith.constant 0 : i32
    %dma_start3A_140 = tpu.memref_slice %arg5[%select_n3A, %dma_start3A_139] : memref<4x16xf32, #tpu.memory_space<hbm>> -> memref<1x16xf32, #tpu.memory_space<hbm>>
    %dma_start3A_141 = tpu.memref_squeeze %dma_start3A_140 : memref<1x16xf32, #tpu.memory_space<hbm>> -> memref<16xf32, #tpu.memory_space<hbm>>
    %dma_start3A_142 = arith.constant 0 : i32
    %dma_start3A_143 = tpu.memref_slice %arg5[%select_n3A, %dma_start3A_142] : memref<4x16xf32, #tpu.memory_space<hbm>> -> memref<1x16xf32, #tpu.memory_space<hbm>>
    %dma_start3A_144 = tpu.memref_squeeze %dma_start3A_143 : memref<1x16xf32, #tpu.memory_space<hbm>> -> memref<16xf32, #tpu.memory_space<hbm>>
    tpu.enqueue_dma source(%dma_start3A_144 : memref<16xf32, #tpu.memory_space<hbm>>) target(%arg11 : memref<16xf32, #tpu.memory_space<vmem>>) target_semaphore(%arg22 : memref<!tpu.dma_semaphore, #tpu.memory_space<semaphore_mem>>)
    tpu.enqueue_dma source(%arg6 : memref<128xf32, #tpu.memory_space<hbm>>) target(%arg12 : memref<128xf32, #tpu.memory_space<vmem>>) target_semaphore(%arg22 : memref<!tpu.dma_semaphore, #tpu.memory_space<semaphore_mem>>)
    %dma_wait3A = arith.constant 0 : i32
    %dma_wait3A_145 = tpu.memref_slice %arg13[%add3A_134, %dma_wait3A] : memref<1024x128xf32, #tpu.memory_space<vmem_shared>> -> memref<64x128xf32, #tpu.memory_space<vmem_shared>>
    %dma_wait3A_146 = arith.constant 0 : i32
    %dma_wait3A_147 = tpu.memref_slice %arg4[%add3A_129, %dma_wait3A_146] : memref<2048x128xf32, #tpu.memory_space<hbm>> -> memref<64x128xf32, #tpu.memory_space<hbm>>
    tpu.wait_dma2 semaphore(%arg23 : memref<!tpu.dma_semaphore, #tpu.memory_space<semaphore_mem>>) src(%dma_wait3A_147 : memref<64x128xf32, #tpu.memory_space<hbm>>) dst(%dma_wait3A_145 : memref<64x128xf32, #tpu.memory_space<vmem_shared>>)
    %barrier3A = arith.constant 0 : index
    tpu.barrier barrier_id(%barrier3A)
    %mul3A_148 = arith.constant 256 : i32
    %mul3A_149 = arith.muli %select_n3A_81, %mul3A_148 : i32
    %add3A_150 = arith.constant 0 : i32
    %add3A_151 = arith.addi %mul3A_149, %add3A_150 : i32
    %dma_start3A_152 = arith.constant 0 : i32
    %dma_start3A_153 = arith.constant 0 : i32
    %dma_start3A_154 = tpu.memref_slice %arg10[%dma_start3A_152, %dma_start3A_153] : memref<256x128xf32, #tpu.memory_space<vmem>> -> memref<64x128xf32, #tpu.memory_space<vmem>>
    %dma_start3A_155 = arith.constant 0 : i32
    %dma_start3A_156 = tpu.memref_slice %arg13[%add3A_151, %dma_start3A_155] : memref<1024x128xf32, #tpu.memory_space<vmem_shared>> -> memref<64x128xf32, #tpu.memory_space<vmem_shared>>
    %dma_start3A_157 = arith.constant 0 : i32
    %dma_start3A_158 = arith.constant 0 : i32
    %dma_start3A_159 = tpu.memref_slice %arg10[%dma_start3A_157, %dma_start3A_158] : memref<256x128xf32, #tpu.memory_space<vmem>> -> memref<64x128xf32, #tpu.memory_space<vmem>>
    %dma_start3A_160 = arith.constant 0 : i32
    %dma_start3A_161 = tpu.memref_slice %arg13[%add3A_151, %dma_start3A_160] : memref<1024x128xf32, #tpu.memory_space<vmem_shared>> -> memref<64x128xf32, #tpu.memory_space<vmem_shared>>
    tpu.enqueue_dma source(%dma_start3A_161 : memref<64x128xf32, #tpu.memory_space<vmem_shared>>) target(%dma_start3A_159 : memref<64x128xf32, #tpu.memory_space<vmem>>) target_semaphore(%arg18 : memref<!tpu.dma_semaphore, #tpu.memory_space<semaphore_mem>>)
    %add3A_162 = arith.constant 64 : i32
    %add3A_163 = arith.addi %mul3A_149, %add3A_162 : i32
    %dma_start3A_164 = arith.constant 64 : i32
    %dma_start3A_165 = arith.constant 0 : i32
    %dma_start3A_166 = tpu.memref_slice %arg10[%dma_start3A_164, %dma_start3A_165] : memref<256x128xf32, #tpu.memory_space<vmem>> -> memref<64x128xf32, #tpu.memory_space<vmem>>
    %dma_start3A_167 = arith.constant 0 : i32
    %dma_start3A_168 = tpu.memref_slice %arg13[%add3A_163, %dma_start3A_167] : memref<1024x128xf32, #tpu.memory_space<vmem_shared>> -> memref<64x128xf32, #tpu.memory_space<vmem_shared>>
    %dma_start3A_169 = arith.constant 64 : i32
    %dma_start3A_170 = arith.constant 0 : i32
    %dma_start3A_171 = tpu.memref_slice %arg10[%dma_start3A_169, %dma_start3A_170] : memref<256x128xf32, #tpu.memory_space<vmem>> -> memref<64x128xf32, #tpu.memory_space<vmem>>
    %dma_start3A_172 = arith.constant 0 : i32
    %dma_start3A_173 = tpu.memref_slice %arg13[%add3A_163, %dma_start3A_172] : memref<1024x128xf32, #tpu.memory_space<vmem_shared>> -> memref<64x128xf32, #tpu.memory_space<vmem_shared>>
    tpu.enqueue_dma source(%dma_start3A_173 : memref<64x128xf32, #tpu.memory_space<vmem_shared>>) target(%dma_start3A_171 : memref<64x128xf32, #tpu.memory_space<vmem>>) target_semaphore(%arg19 : memref<!tpu.dma_semaphore, #tpu.memory_space<semaphore_mem>>)
    %add3A_174 = arith.constant 128 : i32
    %add3A_175 = arith.addi %mul3A_149, %add3A_174 : i32
    %dma_start3A_176 = arith.constant 128 : i32
    %dma_start3A_177 = arith.constant 0 : i32
    %dma_start3A_178 = tpu.memref_slice %arg10[%dma_start3A_176, %dma_start3A_177] : memref<256x128xf32, #tpu.memory_space<vmem>> -> memref<64x128xf32, #tpu.memory_space<vmem>>
    %dma_start3A_179 = arith.constant 0 : i32
    %dma_start3A_180 = tpu.memref_slice %arg13[%add3A_175, %dma_start3A_179] : memref<1024x128xf32, #tpu.memory_space<vmem_shared>> -> memref<64x128xf32, #tpu.memory_space<vmem_shared>>
    %dma_start3A_181 = arith.constant 128 : i32
    %dma_start3A_182 = arith.constant 0 : i32
    %dma_start3A_183 = tpu.memref_slice %arg10[%dma_start3A_181, %dma_start3A_182] : memref<256x128xf32, #tpu.memory_space<vmem>> -> memref<64x128xf32, #tpu.memory_space<vmem>>
    %dma_start3A_184 = arith.constant 0 : i32
    %dma_start3A_185 = tpu.memref_slice %arg13[%add3A_175, %dma_start3A_184] : memref<1024x128xf32, #tpu.memory_space<vmem_shared>> -> memref<64x128xf32, #tpu.memory_space<vmem_shared>>
    tpu.enqueue_dma source(%dma_start3A_185 : memref<64x128xf32, #tpu.memory_space<vmem_shared>>) target(%dma_start3A_183 : memref<64x128xf32, #tpu.memory_space<vmem>>) target_semaphore(%arg20 : memref<!tpu.dma_semaphore, #tpu.memory_space<semaphore_mem>>)
    %add3A_186 = arith.constant 192 : i32
    %add3A_187 = arith.addi %mul3A_149, %add3A_186 : i32
    %dma_start3A_188 = arith.constant 192 : i32
    %dma_start3A_189 = arith.constant 0 : i32
    %dma_start3A_190 = tpu.memref_slice %arg10[%dma_start3A_188, %dma_start3A_189] : memref<256x128xf32, #tpu.memory_space<vmem>> -> memref<64x128xf32, #tpu.memory_space<vmem>>
    %dma_start3A_191 = arith.constant 0 : i32
    %dma_start3A_192 = tpu.memref_slice %arg13[%add3A_187, %dma_start3A_191] : memref<1024x128xf32, #tpu.memory_space<vmem_shared>> -> memref<64x128xf32, #tpu.memory_space<vmem_shared>>
    %dma_start3A_193 = arith.constant 192 : i32
    %dma_start3A_194 = arith.constant 0 : i32
    %dma_start3A_195 = tpu.memref_slice %arg10[%dma_start3A_193, %dma_start3A_194] : memref<256x128xf32, #tpu.memory_space<vmem>> -> memref<64x128xf32, #tpu.memory_space<vmem>>
    %dma_start3A_196 = arith.constant 0 : i32
    %dma_start3A_197 = tpu.memref_slice %arg13[%add3A_187, %dma_start3A_196] : memref<1024x128xf32, #tpu.memory_space<vmem_shared>> -> memref<64x128xf32, #tpu.memory_space<vmem_shared>>
    tpu.enqueue_dma source(%dma_start3A_197 : memref<64x128xf32, #tpu.memory_space<vmem_shared>>) target(%dma_start3A_195 : memref<64x128xf32, #tpu.memory_space<vmem>>) target_semaphore(%arg21 : memref<!tpu.dma_semaphore, #tpu.memory_space<semaphore_mem>>)
    %dma_wait3A_198 = arith.constant 0 : i32
    %dma_wait3A_199 = tpu.memref_slice %arg5[%select_n3A, %dma_wait3A_198] : memref<4x16xf32, #tpu.memory_space<hbm>> -> memref<1x16xf32, #tpu.memory_space<hbm>>
    %dma_wait3A_200 = tpu.memref_squeeze %dma_wait3A_199 : memref<1x16xf32, #tpu.memory_space<hbm>> -> memref<16xf32, #tpu.memory_space<hbm>>
    %dma_wait3A_201 = arith.constant 0 : i32
    %dma_wait3A_202 = tpu.memref_slice %arg5[%select_n3A, %dma_wait3A_201] : memref<4x16xf32, #tpu.memory_space<hbm>> -> memref<1x16xf32, #tpu.memory_space<hbm>>
    %dma_wait3A_203 = tpu.memref_squeeze %dma_wait3A_202 : memref<1x16xf32, #tpu.memory_space<hbm>> -> memref<16xf32, #tpu.memory_space<hbm>>
    tpu.wait_dma2 semaphore(%arg22 : memref<!tpu.dma_semaphore, #tpu.memory_space<semaphore_mem>>) src(%dma_wait3A_203 : memref<16xf32, #tpu.memory_space<hbm>>) dst(%arg11 : memref<16xf32, #tpu.memory_space<vmem>>)
    tpu.wait_dma2 semaphore(%arg22 : memref<!tpu.dma_semaphore, #tpu.memory_space<semaphore_mem>>) src(%arg6 : memref<128xf32, #tpu.memory_space<hbm>>) dst(%arg12 : memref<128xf32, #tpu.memory_space<vmem>>)
    %get3A = arith.constant 0 : index
    %get3A_204 = tpu.vector_load %arg11[%get3A] {strides = array<i32>} : memref<16xf32, #tpu.memory_space<vmem>>, vector<16xf32>,
    %get3A_205 = vector.shape_cast %get3A_204 : vector<16xf32> to vector<16xf32>
    %get3A_206 = arith.constant 0 : index
    %get3A_207 = tpu.vector_load %arg12[%get3A_206] {strides = array<i32>} : memref<128xf32, #tpu.memory_space<vmem>>, vector<16xf32>,
    %get3A_208 = vector.shape_cast %get3A_207 : vector<16xf32> to vector<16xf32>
    %mul3A_209 = arith.mulf %get3A_205, %get3A_208 : vector<16xf32>
    %mul3A_210 = arith.constant 0.0883883461 : f32
    %mul3A_211 = vector.broadcast %mul3A_210 : f32 to vector<16xf32>
    %mul3A_212 = arith.mulf %mul3A_209, %mul3A_211 : vector<16xf32>
    %get3A_213 = arith.constant 16 : index
    %get3A_214 = tpu.vector_load %arg12[%get3A_213] {strides = array<i32>} : memref<128xf32, #tpu.memory_space<vmem>>, vector<16xf32>,
    %get3A_215 = vector.shape_cast %get3A_214 : vector<16xf32> to vector<16xf32>
    %mul3A_216 = arith.mulf %get3A_205, %get3A_215 : vector<16xf32>
    %mul3A_217 = arith.constant 0.0883883461 : f32
    %mul3A_218 = vector.broadcast %mul3A_217 : f32 to vector<16xf32>
    %mul3A_219 = arith.mulf %mul3A_216, %mul3A_218 : vector<16xf32>
    %get3A_220 = arith.constant 32 : index
    %get3A_221 = tpu.vector_load %arg12[%get3A_220] {strides = array<i32>} : memref<128xf32, #tpu.memory_space<vmem>>, vector<16xf32>,
    %get3A_222 = vector.shape_cast %get3A_221 : vector<16xf32> to vector<16xf32>
    %mul3A_223 = arith.mulf %get3A_205, %get3A_222 : vector<16xf32>
    %mul3A_224 = arith.constant 0.0883883461 : f32
    %mul3A_225 = vector.broadcast %mul3A_224 : f32 to vector<16xf32>
    %mul3A_226 = arith.mulf %mul3A_223, %mul3A_225 : vector<16xf32>
    %get3A_227 = arith.constant 48 : index
    %get3A_228 = tpu.vector_load %arg12[%get3A_227] {strides = array<i32>} : memref<128xf32, #tpu.memory_space<vmem>>, vector<16xf32>,
    %get3A_229 = vector.shape_cast %get3A_228 : vector<16xf32> to vector<16xf32>
    %mul3A_230 = arith.mulf %get3A_205, %get3A_229 : vector<16xf32>
    %mul3A_231 = arith.constant 0.0883883461 : f32
    %mul3A_232 = vector.broadcast %mul3A_231 : f32 to vector<16xf32>
    %mul3A_233 = arith.mulf %mul3A_230, %mul3A_232 : vector<16xf32>
    %get3A_234 = arith.constant 64 : index
    %get3A_235 = tpu.vector_load %arg12[%get3A_234] {strides = array<i32>} : memref<128xf32, #tpu.memory_space<vmem>>, vector<16xf32>,
    %get3A_236 = vector.shape_cast %get3A_235 : vector<16xf32> to vector<16xf32>
    %mul3A_237 = arith.mulf %get3A_205, %get3A_236 : vector<16xf32>
    %mul3A_238 = arith.constant 0.0883883461 : f32
    %mul3A_239 = vector.broadcast %mul3A_238 : f32 to vector<16xf32>
    %mul3A_240 = arith.mulf %mul3A_237, %mul3A_239 : vector<16xf32>
    %get3A_241 = arith.constant 80 : index
    %get3A_242 = tpu.vector_load %arg12[%get3A_241] {strides = array<i32>} : memref<128xf32, #tpu.memory_space<vmem>>, vector<16xf32>,
    %get3A_243 = vector.shape_cast %get3A_242 : vector<16xf32> to vector<16xf32>
    %mul3A_244 = arith.mulf %get3A_205, %get3A_243 : vector<16xf32>
    %mul3A_245 = arith.constant 0.0883883461 : f32
    %mul3A_246 = vector.broadcast %mul3A_245 : f32 to vector<16xf32>
    %mul3A_247 = arith.mulf %mul3A_244, %mul3A_246 : vector<16xf32>
    %get3A_248 = arith.constant 96 : index
    %get3A_249 = tpu.vector_load %arg12[%get3A_248] {strides = array<i32>} : memref<128xf32, #tpu.memory_space<vmem>>, vector<16xf32>,
    %get3A_250 = vector.shape_cast %get3A_249 : vector<16xf32> to vector<16xf32>
    %mul3A_251 = arith.mulf %get3A_205, %get3A_250 : vector<16xf32>
    %mul3A_252 = arith.constant 0.0883883461 : f32
    %mul3A_253 = vector.broadcast %mul3A_252 : f32 to vector<16xf32>
    %mul3A_254 = arith.mulf %mul3A_251, %mul3A_253 : vector<16xf32>
    %get3A_255 = arith.constant 112 : index
    %get3A_256 = tpu.vector_load %arg12[%get3A_255] {strides = array<i32>} : memref<128xf32, #tpu.memory_space<vmem>>, vector<16xf32>,
    %get3A_257 = vector.shape_cast %get3A_256 : vector<16xf32> to vector<16xf32>
    %mul3A_258 = arith.mulf %get3A_205, %get3A_257 : vector<16xf32>
    %mul3A_259 = arith.constant 0.0883883461 : f32
    %mul3A_260 = vector.broadcast %mul3A_259 : f32 to vector<16xf32>
    %mul3A_261 = arith.mulf %mul3A_258, %mul3A_260 : vector<16xf32>
    %dma_wait3A_262 = arith.constant 0 : i32
    %dma_wait3A_263 = arith.constant 0 : i32
    %dma_wait3A_264 = tpu.memref_slice %arg9[%dma_wait3A_262, %dma_wait3A_263] : memref<256x128xf32, #tpu.memory_space<vmem>> -> memref<64x128xf32, #tpu.memory_space<vmem>>
    %dma_wait3A_265 = arith.constant 0 : i32
    %dma_wait3A_266 = tpu.memref_slice %arg8[%dma_wait3A_265] : memref<256xi32, #tpu.memory_space<vmem>> -> memref<64xi32, #tpu.memory_space<vmem>>
    %dma_wait3A_267 = arith.constant 0 : i32
    %dma_wait3A_268 = arith.constant 0 : i32
    %dma_wait3A_269 = tpu.memref_slice %arg3[%dma_wait3A_267, %dma_wait3A_268] : memref<1000000x128xf32, #tpu.memory_space<hbm>> -> memref<1000000x128xf32, #tpu.memory_space<hbm>>
    tpu.wait_indirect_dma semaphore(%arg14 : memref<!tpu.dma_semaphore, #tpu.memory_space<semaphore_mem>>) src(%dma_wait3A_269 : memref<1000000x128xf32, #tpu.memory_space<hbm>>) dst(%dma_wait3A_264 : memref<64x128xf32, #tpu.memory_space<vmem>>)
    %dma_wait3A_270 = arith.constant 0 : i32
    %dma_wait3A_271 = arith.constant 0 : i32
    %dma_wait3A_272 = tpu.memref_slice %arg10[%dma_wait3A_270, %dma_wait3A_271] : memref<256x128xf32, #tpu.memory_space<vmem>> -> memref<64x128xf32, #tpu.memory_space<vmem>>
    %dma_wait3A_273 = arith.constant 0 : i32
    %dma_wait3A_274 = tpu.memref_slice %arg13[%add3A_151, %dma_wait3A_273] : memref<1024x128xf32, #tpu.memory_space<vmem_shared>> -> memref<64x128xf32, #tpu.memory_space<vmem_shared>>
    %dma_wait3A_275 = arith.constant 0 : i32
    %dma_wait3A_276 = arith.constant 0 : i32
    %dma_wait3A_277 = tpu.memref_slice %arg10[%dma_wait3A_275, %dma_wait3A_276] : memref<256x128xf32, #tpu.memory_space<vmem>> -> memref<64x128xf32, #tpu.memory_space<vmem>>
    %dma_wait3A_278 = arith.constant 0 : i32
    %dma_wait3A_279 = tpu.memref_slice %arg13[%add3A_151, %dma_wait3A_278] : memref<1024x128xf32, #tpu.memory_space<vmem_shared>> -> memref<64x128xf32, #tpu.memory_space<vmem_shared>>
    tpu.wait_dma2 semaphore(%arg18 : memref<!tpu.dma_semaphore, #tpu.memory_space<semaphore_mem>>) src(%dma_wait3A_279 : memref<64x128xf32, #tpu.memory_space<vmem_shared>>) dst(%dma_wait3A_277 : memref<64x128xf32, #tpu.memory_space<vmem>>)
    %scan3A = arith.constant 0 : i32
    %scan3A_280 = arith.constant 0 : i32
    %scan3A_281 = arith.constant 64 : i32
    %scan3A_282 = arith.addi %scan3A_280, %scan3A_281 : i32
    %scan3A_283 = arith.constant 1 : i32
    scf.for %scan3A_445 = %scan3A_280 to %scan3A_282 step %scan3A_283  : i32 {
      %get3A_446 = arith.index_cast %scan3A_445 : i32 to index
      %get3A_447 = arith.constant 0 : index
      %get3A_448 = tpu.vector_load %arg9[%get3A_446, %get3A_447] {strides = array<i32>} : memref<256x128xf32, #tpu.memory_space<vmem>>, vector<1x16xf32>,
      %get3A_449 = vector.shape_cast %get3A_448 : vector<1x16xf32> to vector<16xf32>
      %get3A_450 = arith.index_cast %scan3A_445 : i32 to index
      %get3A_451 = arith.constant 0 : index
      %get3A_452 = tpu.vector_load %arg10[%get3A_450, %get3A_451] {strides = array<i32>} : memref<256x128xf32, #tpu.memory_space<vmem>>, vector<1x16xf32>,
      %get3A_453 = vector.shape_cast %get3A_452 : vector<1x16xf32> to vector<16xf32>
      %mul3A_454 = arith.constant 0.0883883461 : f32
      %mul3A_455 = vector.broadcast %mul3A_454 : f32 to vector<16xf32>
      %mul3A_456 = arith.mulf %get3A_453, %mul3A_455 : vector<16xf32>
      %add3A_457 = arith.addf %get3A_449, %mul3A_456 : vector<16xf32>
      %add3A_458 = arith.addf %add3A_457, %mul3A_212 : vector<16xf32>
      %swap3A = arith.index_cast %scan3A_445 : i32 to index
      %swap3A_459 = arith.constant 0 : index
      %swap3A_460 = tpu.vector_load %arg9[%swap3A, %swap3A_459] {strides = array<i32>} : memref<256x128xf32, #tpu.memory_space<vmem>>, vector<1x16xf32>,
      %swap3A_461 = vector.shape_cast %swap3A_460 : vector<1x16xf32> to vector<16xf32>
      %swap3A_462 = vector.shape_cast %add3A_458 : vector<16xf32> to vector<1x16xf32>
      tpu.vector_store %arg9[%swap3A, %swap3A_459], %swap3A_462 {strides = array<i32>} : memref<256x128xf32, #tpu.memory_space<vmem>>, vector<1x16xf32>,
      %get3A_463 = arith.index_cast %scan3A_445 : i32 to index
      %get3A_464 = arith.constant 16 : index
      %get3A_465 = tpu.vector_load %arg9[%get3A_463, %get3A_464] {strides = array<i32>} : memref<256x128xf32, #tpu.memory_space<vmem>>, vector<1x16xf32>,
      %get3A_466 = vector.shape_cast %get3A_465 : vector<1x16xf32> to vector<16xf32>
      %get3A_467 = arith.index_cast %scan3A_445 : i32 to index
      %get3A_468 = arith.constant 16 : index
      %get3A_469 = tpu.vector_load %arg10[%get3A_467, %get3A_468] {strides = array<i32>} : memref<256x128xf32, #tpu.memory_space<vmem>>, vector<1x16xf32>,
      %get3A_470 = vector.shape_cast %get3A_469 : vector<1x16xf32> to vector<16xf32>
      %mul3A_471 = arith.constant 0.0883883461 : f32
      %mul3A_472 = vector.broadcast %mul3A_471 : f32 to vector<16xf32>
      %mul3A_473 = arith.mulf %get3A_470, %mul3A_472 : vector<16xf32>
      %add3A_474 = arith.addf %get3A_466, %mul3A_473 : vector<16xf32>
      %add3A_475 = arith.addf %add3A_474, %mul3A_219 : vector<16xf32>
      %swap3A_476 = arith.index_cast %scan3A_445 : i32 to index
      %swap3A_477 = arith.constant 16 : index
      %swap3A_478 = tpu.vector_load %arg9[%swap3A_476, %swap3A_477] {strides = array<i32>} : memref<256x128xf32, #tpu.memory_space<vmem>>, vector<1x16xf32>,
      %swap3A_479 = vector.shape_cast %swap3A_478 : vector<1x16xf32> to vector<16xf32>
      %swap3A_480 = vector.shape_cast %add3A_475 : vector<16xf32> to vector<1x16xf32>
      tpu.vector_store %arg9[%swap3A_476, %swap3A_477], %swap3A_480 {strides = array<i32>} : memref<256x128xf32, #tpu.memory_space<vmem>>, vector<1x16xf32>,
      %get3A_481 = arith.index_cast %scan3A_445 : i32 to index
      %get3A_482 = arith.constant 32 : index
      %get3A_483 = tpu.vector_load %arg9[%get3A_481, %get3A_482] {strides = array<i32>} : memref<256x128xf32, #tpu.memory_space<vmem>>, vector<1x16xf32>,
      %get3A_484 = vector.shape_cast %get3A_483 : vector<1x16xf32> to vector<16xf32>
      %get3A_485 = arith.index_cast %scan3A_445 : i32 to index
      %get3A_486 = arith.constant 32 : index
      %get3A_487 = tpu.vector_load %arg10[%get3A_485, %get3A_486] {strides = array<i32>} : memref<256x128xf32, #tpu.memory_space<vmem>>, vector<1x16xf32>,
      %get3A_488 = vector.shape_cast %get3A_487 : vector<1x16xf32> to vector<16xf32>
      %mul3A_489 = arith.constant 0.0883883461 : f32
      %mul3A_490 = vector.broadcast %mul3A_489 : f32 to vector<16xf32>
      %mul3A_491 = arith.mulf %get3A_488, %mul3A_490 : vector<16xf32>
      %add3A_492 = arith.addf %get3A_484, %mul3A_491 : vector<16xf32>
      %add3A_493 = arith.addf %add3A_492, %mul3A_226 : vector<16xf32>
      %swap3A_494 = arith.index_cast %scan3A_445 : i32 to index
      %swap3A_495 = arith.constant 32 : index
      %swap3A_496 = tpu.vector_load %arg9[%swap3A_494, %swap3A_495] {strides = array<i32>} : memref<256x128xf32, #tpu.memory_space<vmem>>, vector<1x16xf32>,
      %swap3A_497 = vector.shape_cast %swap3A_496 : vector<1x16xf32> to vector<16xf32>
      %swap3A_498 = vector.shape_cast %add3A_493 : vector<16xf32> to vector<1x16xf32>
      tpu.vector_store %arg9[%swap3A_494, %swap3A_495], %swap3A_498 {strides = array<i32>} : memref<256x128xf32, #tpu.memory_space<vmem>>, vector<1x16xf32>,
      %get3A_499 = arith.index_cast %scan3A_445 : i32 to index
      %get3A_500 = arith.constant 48 : index
      %get3A_501 = tpu.vector_load %arg9[%get3A_499, %get3A_500] {strides = array<i32>} : memref<256x128xf32, #tpu.memory_space<vmem>>, vector<1x16xf32>,
      %get3A_502 = vector.shape_cast %get3A_501 : vector<1x16xf32> to vector<16xf32>
      %get3A_503 = arith.index_cast %scan3A_445 : i32 to index
      %get3A_504 = arith.constant 48 : index
      %get3A_505 = tpu.vector_load %arg10[%get3A_503, %get3A_504] {strides = array<i32>} : memref<256x128xf32, #tpu.memory_space<vmem>>, vector<1x16xf32>,
      %get3A_506 = vector.shape_cast %get3A_505 : vector<1x16xf32> to vector<16xf32>
      %mul3A_507 = arith.constant 0.0883883461 : f32
      %mul3A_508 = vector.broadcast %mul3A_507 : f32 to vector<16xf32>
      %mul3A_509 = arith.mulf %get3A_506, %mul3A_508 : vector<16xf32>
      %add3A_510 = arith.addf %get3A_502, %mul3A_509 : vector<16xf32>
      %add3A_511 = arith.addf %add3A_510, %mul3A_233 : vector<16xf32>
      %swap3A_512 = arith.index_cast %scan3A_445 : i32 to index
      %swap3A_513 = arith.constant 48 : index
      %swap3A_514 = tpu.vector_load %arg9[%swap3A_512, %swap3A_513] {strides = array<i32>} : memref<256x128xf32, #tpu.memory_space<vmem>>, vector<1x16xf32>,
      %swap3A_515 = vector.shape_cast %swap3A_514 : vector<1x16xf32> to vector<16xf32>
      %swap3A_516 = vector.shape_cast %add3A_511 : vector<16xf32> to vector<1x16xf32>
      tpu.vector_store %arg9[%swap3A_512, %swap3A_513], %swap3A_516 {strides = array<i32>} : memref<256x128xf32, #tpu.memory_space<vmem>>, vector<1x16xf32>,
      %get3A_517 = arith.index_cast %scan3A_445 : i32 to index
      %get3A_518 = arith.constant 64 : index
      %get3A_519 = tpu.vector_load %arg9[%get3A_517, %get3A_518] {strides = array<i32>} : memref<256x128xf32, #tpu.memory_space<vmem>>, vector<1x16xf32>,
      %get3A_520 = vector.shape_cast %get3A_519 : vector<1x16xf32> to vector<16xf32>
      %get3A_521 = arith.index_cast %scan3A_445 : i32 to index
      %get3A_522 = arith.constant 64 : index
      %get3A_523 = tpu.vector_load %arg10[%get3A_521, %get3A_522] {strides = array<i32>} : memref<256x128xf32, #tpu.memory_space<vmem>>, vector<1x16xf32>,
      %get3A_524 = vector.shape_cast %get3A_523 : vector<1x16xf32> to vector<16xf32>
      %mul3A_525 = arith.constant 0.0883883461 : f32
      %mul3A_526 = vector.broadcast %mul3A_525 : f32 to vector<16xf32>
      %mul3A_527 = arith.mulf %get3A_524, %mul3A_526 : vector<16xf32>
      %add3A_528 = arith.addf %get3A_520, %mul3A_527 : vector<16xf32>
      %add3A_529 = arith.addf %add3A_528, %mul3A_240 : vector<16xf32>
      %swap3A_530 = arith.index_cast %scan3A_445 : i32 to index
      %swap3A_531 = arith.constant 64 : index
      %swap3A_532 = tpu.vector_load %arg9[%swap3A_530, %swap3A_531] {strides = array<i32>} : memref<256x128xf32, #tpu.memory_space<vmem>>, vector<1x16xf32>,
      %swap3A_533 = vector.shape_cast %swap3A_532 : vector<1x16xf32> to vector<16xf32>
      %swap3A_534 = vector.shape_cast %add3A_529 : vector<16xf32> to vector<1x16xf32>
      tpu.vector_store %arg9[%swap3A_530, %swap3A_531], %swap3A_534 {strides = array<i32>} : memref<256x128xf32, #tpu.memory_space<vmem>>, vector<1x16xf32>,
      %get3A_535 = arith.index_cast %scan3A_445 : i32 to index
      %get3A_536 = arith.constant 80 : index
      %get3A_537 = tpu.vector_load %arg9[%get3A_535, %get3A_536] {strides = array<i32>} : memref<256x128xf32, #tpu.memory_space<vmem>>, vector<1x16xf32>,
      %get3A_538 = vector.shape_cast %get3A_537 : vector<1x16xf32> to vector<16xf32>
      %get3A_539 = arith.index_cast %scan3A_445 : i32 to index
      %get3A_540 = arith.constant 80 : index
      %get3A_541 = tpu.vector_load %arg10[%get3A_539, %get3A_540] {strides = array<i32>} : memref<256x128xf32, #tpu.memory_space<vmem>>, vector<1x16xf32>,
      %get3A_542 = vector.shape_cast %get3A_541 : vector<1x16xf32> to vector<16xf32>
      %mul3A_543 = arith.constant 0.0883883461 : f32
      %mul3A_544 = vector.broadcast %mul3A_543 : f32 to vector<16xf32>
      %mul3A_545 = arith.mulf %get3A_542, %mul3A_544 : vector<16xf32>
      %add3A_546 = arith.addf %get3A_538, %mul3A_545 : vector<16xf32>
      %add3A_547 = arith.addf %add3A_546, %mul3A_247 : vector<16xf32>
      %swap3A_548 = arith.index_cast %scan3A_445 : i32 to index
      %swap3A_549 = arith.constant 80 : index
      %swap3A_550 = tpu.vector_load %arg9[%swap3A_548, %swap3A_549] {strides = array<i32>} : memref<256x128xf32, #tpu.memory_space<vmem>>, vector<1x16xf32>,
      %swap3A_551 = vector.shape_cast %swap3A_550 : vector<1x16xf32> to vector<16xf32>
      %swap3A_552 = vector.shape_cast %add3A_547 : vector<16xf32> to vector<1x16xf32>
      tpu.vector_store %arg9[%swap3A_548, %swap3A_549], %swap3A_552 {strides = array<i32>} : memref<256x128xf32, #tpu.memory_space<vmem>>, vector<1x16xf32>,
      %get3A_553 = arith.index_cast %scan3A_445 : i32 to index
      %get3A_554 = arith.constant 96 : index
      %get3A_555 = tpu.vector_load %arg9[%get3A_553, %get3A_554] {strides = array<i32>} : memref<256x128xf32, #tpu.memory_space<vmem>>, vector<1x16xf32>,
      %get3A_556 = vector.shape_cast %get3A_555 : vector<1x16xf32> to vector<16xf32>
      %get3A_557 = arith.index_cast %scan3A_445 : i32 to index
      %get3A_558 = arith.constant 96 : index
      %get3A_559 = tpu.vector_load %arg10[%get3A_557, %get3A_558] {strides = array<i32>} : memref<256x128xf32, #tpu.memory_space<vmem>>, vector<1x16xf32>,
      %get3A_560 = vector.shape_cast %get3A_559 : vector<1x16xf32> to vector<16xf32>
      %mul3A_561 = arith.constant 0.0883883461 : f32
      %mul3A_562 = vector.broadcast %mul3A_561 : f32 to vector<16xf32>
      %mul3A_563 = arith.mulf %get3A_560, %mul3A_562 : vector<16xf32>
      %add3A_564 = arith.addf %get3A_556, %mul3A_563 : vector<16xf32>
      %add3A_565 = arith.addf %add3A_564, %mul3A_254 : vector<16xf32>
      %swap3A_566 = arith.index_cast %scan3A_445 : i32 to index
      %swap3A_567 = arith.constant 96 : index
      %swap3A_568 = tpu.vector_load %arg9[%swap3A_566, %swap3A_567] {strides = array<i32>} : memref<256x128xf32, #tpu.memory_space<vmem>>, vector<1x16xf32>,
      %swap3A_569 = vector.shape_cast %swap3A_568 : vector<1x16xf32> to vector<16xf32>
      %swap3A_570 = vector.shape_cast %add3A_565 : vector<16xf32> to vector<1x16xf32>
      tpu.vector_store %arg9[%swap3A_566, %swap3A_567], %swap3A_570 {strides = array<i32>} : memref<256x128xf32, #tpu.memory_space<vmem>>, vector<1x16xf32>,
      %get3A_571 = arith.index_cast %scan3A_445 : i32 to index
      %get3A_572 = arith.constant 112 : index
      %get3A_573 = tpu.vector_load %arg9[%get3A_571, %get3A_572] {strides = array<i32>} : memref<256x128xf32, #tpu.memory_space<vmem>>, vector<1x16xf32>,
      %get3A_574 = vector.shape_cast %get3A_573 : vector<1x16xf32> to vector<16xf32>
      %get3A_575 = arith.index_cast %scan3A_445 : i32 to index
      %get3A_576 = arith.constant 112 : index
      %get3A_577 = tpu.vector_load %arg10[%get3A_575, %get3A_576] {strides = array<i32>} : memref<256x128xf32, #tpu.memory_space<vmem>>, vector<1x16xf32>,
      %get3A_578 = vector.shape_cast %get3A_577 : vector<1x16xf32> to vector<16xf32>
      %mul3A_579 = arith.constant 0.0883883461 : f32
      %mul3A_580 = vector.broadcast %mul3A_579 : f32 to vector<16xf32>
      %mul3A_581 = arith.mulf %get3A_578, %mul3A_580 : vector<16xf32>
      %add3A_582 = arith.addf %get3A_574, %mul3A_581 : vector<16xf32>
      %add3A_583 = arith.addf %add3A_582, %mul3A_261 : vector<16xf32>
      %swap3A_584 = arith.index_cast %scan3A_445 : i32 to index
      %swap3A_585 = arith.constant 112 : index
      %swap3A_586 = tpu.vector_load %arg9[%swap3A_584, %swap3A_585] {strides = array<i32>} : memref<256x128xf32, #tpu.memory_space<vmem>>, vector<1x16xf32>,
      %swap3A_587 = vector.shape_cast %swap3A_586 : vector<1x16xf32> to vector<16xf32>
      %swap3A_588 = vector.shape_cast %add3A_583 : vector<16xf32> to vector<1x16xf32>
      tpu.vector_store %arg9[%swap3A_584, %swap3A_585], %swap3A_588 {strides = array<i32>} : memref<256x128xf32, #tpu.memory_space<vmem>>, vector<1x16xf32>,
    }
    %scan3A_284 = arith.constant 64 : i32
    %add3A_285 = arith.constant 0 : i32
    %add3A_286 = arith.addi %mul3A_2, %add3A_285 : i32
    %dma_start3A_287 = arith.constant 0 : i32
    %dma_start3A_288 = arith.constant 0 : i32
    %dma_start3A_289 = tpu.memref_slice %arg9[%dma_start3A_287, %dma_start3A_288] : memref<256x128xf32, #tpu.memory_space<vmem>> -> memref<64x128xf32, #tpu.memory_space<vmem>>
    %dma_start3A_290 = arith.constant 0 : i32
    %dma_start3A_291 = tpu.memref_slice %arg7[%add3A_286, %dma_start3A_290] : memref<8192x128xf32, #tpu.memory_space<hbm>> -> memref<64x128xf32, #tpu.memory_space<hbm>>
    %dma_start3A_292 = arith.constant 0 : i32
    %dma_start3A_293 = tpu.memref_slice %arg7[%add3A_286, %dma_start3A_292] : memref<8192x128xf32, #tpu.memory_space<hbm>> -> memref<64x128xf32, #tpu.memory_space<hbm>>
    %dma_start3A_294 = arith.constant 0 : i32
    %dma_start3A_295 = arith.constant 0 : i32
    %dma_start3A_296 = tpu.memref_slice %arg9[%dma_start3A_294, %dma_start3A_295] : memref<256x128xf32, #tpu.memory_space<vmem>> -> memref<64x128xf32, #tpu.memory_space<vmem>>
    tpu.enqueue_dma source(%dma_start3A_296 : memref<64x128xf32, #tpu.memory_space<vmem>>) target(%dma_start3A_293 : memref<64x128xf32, #tpu.memory_space<hbm>>) target_semaphore(%arg24 : memref<!tpu.dma_semaphore, #tpu.memory_space<semaphore_mem>>)
    %dma_wait3A_297 = arith.constant 64 : i32
    %dma_wait3A_298 = arith.constant 0 : i32
    %dma_wait3A_299 = tpu.memref_slice %arg9[%dma_wait3A_297, %dma_wait3A_298] : memref<256x128xf32, #tpu.memory_space<vmem>> -> memref<64x128xf32, #tpu.memory_space<vmem>>
    %dma_wait3A_300 = arith.constant 64 : i32
    %dma_wait3A_301 = tpu.memref_slice %arg8[%dma_wait3A_300] : memref<256xi32, #tpu.memory_space<vmem>> -> memref<64xi32, #tpu.memory_space<vmem>>
    %dma_wait3A_302 = arith.constant 0 : i32
    %dma_wait3A_303 = arith.constant 0 : i32
    %dma_wait3A_304 = tpu.memref_slice %arg3[%dma_wait3A_302, %dma_wait3A_303] : memref<1000000x128xf32, #tpu.memory_space<hbm>> -> memref<1000000x128xf32, #tpu.memory_space<hbm>>
    tpu.wait_indirect_dma semaphore(%arg15 : memref<!tpu.dma_semaphore, #tpu.memory_space<semaphore_mem>>) src(%dma_wait3A_304 : memref<1000000x128xf32, #tpu.memory_space<hbm>>) dst(%dma_wait3A_299 : memref<64x128xf32, #tpu.memory_space<vmem>>)
    %dma_wait3A_305 = arith.constant 64 : i32
    %dma_wait3A_306 = arith.constant 0 : i32
    %dma_wait3A_307 = tpu.memref_slice %arg10[%dma_wait3A_305, %dma_wait3A_306] : memref<256x128xf32, #tpu.memory_space<vmem>> -> memref<64x128xf32, #tpu.memory_space<vmem>>
    %dma_wait3A_308 = arith.constant 0 : i32
    %dma_wait3A_309 = tpu.memref_slice %arg13[%add3A_163, %dma_wait3A_308] : memref<1024x128xf32, #tpu.memory_space<vmem_shared>> -> memref<64x128xf32, #tpu.memory_space<vmem_shared>>
    %dma_wait3A_310 = arith.constant 64 : i32
    %dma_wait3A_311 = arith.constant 0 : i32
    %dma_wait3A_312 = tpu.memref_slice %arg10[%dma_wait3A_310, %dma_wait3A_311] : memref<256x128xf32, #tpu.memory_space<vmem>> -> memref<64x128xf32, #tpu.memory_space<vmem>>
    %dma_wait3A_313 = arith.constant 0 : i32
    %dma_wait3A_314 = tpu.memref_slice %arg13[%add3A_163, %dma_wait3A_313] : memref<1024x128xf32, #tpu.memory_space<vmem_shared>> -> memref<64x128xf32, #tpu.memory_space<vmem_shared>>
    tpu.wait_dma2 semaphore(%arg19 : memref<!tpu.dma_semaphore, #tpu.memory_space<semaphore_mem>>) src(%dma_wait3A_314 : memref<64x128xf32, #tpu.memory_space<vmem_shared>>) dst(%dma_wait3A_312 : memref<64x128xf32, #tpu.memory_space<vmem>>)
    %scan3A_315 = arith.constant 0 : i32
    %scan3A_316 = arith.constant 64 : i32
    %scan3A_317 = arith.constant 64 : i32
    %scan3A_318 = arith.addi %scan3A_316, %scan3A_317 : i32
    %scan3A_319 = arith.constant 1 : i32
    scf.for %scan3A_445 = %scan3A_316 to %scan3A_318 step %scan3A_319  : i32 {
      %get3A_446 = arith.index_cast %scan3A_445 : i32 to index
      %get3A_447 = arith.constant 0 : index
      %get3A_448 = tpu.vector_load %arg9[%get3A_446, %get3A_447] {strides = array<i32>} : memref<256x128xf32, #tpu.memory_space<vmem>>, vector<1x16xf32>,
      %get3A_449 = vector.shape_cast %get3A_448 : vector<1x16xf32> to vector<16xf32>
      %get3A_450 = arith.index_cast %scan3A_445 : i32 to index
      %get3A_451 = arith.constant 0 : index
      %get3A_452 = tpu.vector_load %arg10[%get3A_450, %get3A_451] {strides = array<i32>} : memref<256x128xf32, #tpu.memory_space<vmem>>, vector<1x16xf32>,
      %get3A_453 = vector.shape_cast %get3A_452 : vector<1x16xf32> to vector<16xf32>
      %mul3A_454 = arith.constant 0.0883883461 : f32
      %mul3A_455 = vector.broadcast %mul3A_454 : f32 to vector<16xf32>
      %mul3A_456 = arith.mulf %get3A_453, %mul3A_455 : vector<16xf32>
      %add3A_457 = arith.addf %get3A_449, %mul3A_456 : vector<16xf32>
      %add3A_458 = arith.addf %add3A_457, %mul3A_212 : vector<16xf32>
      %swap3A = arith.index_cast %scan3A_445 : i32 to index
      %swap3A_459 = arith.constant 0 : index
      %swap3A_460 = tpu.vector_load %arg9[%swap3A, %swap3A_459] {strides = array<i32>} : memref<256x128xf32, #tpu.memory_space<vmem>>, vector<1x16xf32>,
      %swap3A_461 = vector.shape_cast %swap3A_460 : vector<1x16xf32> to vector<16xf32>
      %swap3A_462 = vector.shape_cast %add3A_458 : vector<16xf32> to vector<1x16xf32>
      tpu.vector_store %arg9[%swap3A, %swap3A_459], %swap3A_462 {strides = array<i32>} : memref<256x128xf32, #tpu.memory_space<vmem>>, vector<1x16xf32>,
      %get3A_463 = arith.index_cast %scan3A_445 : i32 to index
      %get3A_464 = arith.constant 16 : index
      %get3A_465 = tpu.vector_load %arg9[%get3A_463, %get3A_464] {strides = array<i32>} : memref<256x128xf32, #tpu.memory_space<vmem>>, vector<1x16xf32>,
      %get3A_466 = vector.shape_cast %get3A_465 : vector<1x16xf32> to vector<16xf32>
      %get3A_467 = arith.index_cast %scan3A_445 : i32 to index
      %get3A_468 = arith.constant 16 : index
      %get3A_469 = tpu.vector_load %arg10[%get3A_467, %get3A_468] {strides = array<i32>} : memref<256x128xf32, #tpu.memory_space<vmem>>, vector<1x16xf32>,
      %get3A_470 = vector.shape_cast %get3A_469 : vector<1x16xf32> to vector<16xf32>
      %mul3A_471 = arith.constant 0.0883883461 : f32
      %mul3A_472 = vector.broadcast %mul3A_471 : f32 to vector<16xf32>
      %mul3A_473 = arith.mulf %get3A_470, %mul3A_472 : vector<16xf32>
      %add3A_474 = arith.addf %get3A_466, %mul3A_473 : vector<16xf32>
      %add3A_475 = arith.addf %add3A_474, %mul3A_219 : vector<16xf32>
      %swap3A_476 = arith.index_cast %scan3A_445 : i32 to index
      %swap3A_477 = arith.constant 16 : index
      %swap3A_478 = tpu.vector_load %arg9[%swap3A_476, %swap3A_477] {strides = array<i32>} : memref<256x128xf32, #tpu.memory_space<vmem>>, vector<1x16xf32>,
      %swap3A_479 = vector.shape_cast %swap3A_478 : vector<1x16xf32> to vector<16xf32>
      %swap3A_480 = vector.shape_cast %add3A_475 : vector<16xf32> to vector<1x16xf32>
      tpu.vector_store %arg9[%swap3A_476, %swap3A_477], %swap3A_480 {strides = array<i32>} : memref<256x128xf32, #tpu.memory_space<vmem>>, vector<1x16xf32>,
      %get3A_481 = arith.index_cast %scan3A_445 : i32 to index
      %get3A_482 = arith.constant 32 : index
      %get3A_483 = tpu.vector_load %arg9[%get3A_481, %get3A_482] {strides = array<i32>} : memref<256x128xf32, #tpu.memory_space<vmem>>, vector<1x16xf32>,
      %get3A_484 = vector.shape_cast %get3A_483 : vector<1x16xf32> to vector<16xf32>
      %get3A_485 = arith.index_cast %scan3A_445 : i32 to index
      %get3A_486 = arith.constant 32 : index
      %get3A_487 = tpu.vector_load %arg10[%get3A_485, %get3A_486] {strides = array<i32>} : memref<256x128xf32, #tpu.memory_space<vmem>>, vector<1x16xf32>,
      %get3A_488 = vector.shape_cast %get3A_487 : vector<1x16xf32> to vector<16xf32>
      %mul3A_489 = arith.constant 0.0883883461 : f32
      %mul3A_490 = vector.broadcast %mul3A_489 : f32 to vector<16xf32>
      %mul3A_491 = arith.mulf %get3A_488, %mul3A_490 : vector<16xf32>
      %add3A_492 = arith.addf %get3A_484, %mul3A_491 : vector<16xf32>
      %add3A_493 = arith.addf %add3A_492, %mul3A_226 : vector<16xf32>
      %swap3A_494 = arith.index_cast %scan3A_445 : i32 to index
      %swap3A_495 = arith.constant 32 : index
      %swap3A_496 = tpu.vector_load %arg9[%swap3A_494, %swap3A_495] {strides = array<i32>} : memref<256x128xf32, #tpu.memory_space<vmem>>, vector<1x16xf32>,
      %swap3A_497 = vector.shape_cast %swap3A_496 : vector<1x16xf32> to vector<16xf32>
      %swap3A_498 = vector.shape_cast %add3A_493 : vector<16xf32> to vector<1x16xf32>
      tpu.vector_store %arg9[%swap3A_494, %swap3A_495], %swap3A_498 {strides = array<i32>} : memref<256x128xf32, #tpu.memory_space<vmem>>, vector<1x16xf32>,
      %get3A_499 = arith.index_cast %scan3A_445 : i32 to index
      %get3A_500 = arith.constant 48 : index
      %get3A_501 = tpu.vector_load %arg9[%get3A_499, %get3A_500] {strides = array<i32>} : memref<256x128xf32, #tpu.memory_space<vmem>>, vector<1x16xf32>,
      %get3A_502 = vector.shape_cast %get3A_501 : vector<1x16xf32> to vector<16xf32>
      %get3A_503 = arith.index_cast %scan3A_445 : i32 to index
      %get3A_504 = arith.constant 48 : index
      %get3A_505 = tpu.vector_load %arg10[%get3A_503, %get3A_504] {strides = array<i32>} : memref<256x128xf32, #tpu.memory_space<vmem>>, vector<1x16xf32>,
      %get3A_506 = vector.shape_cast %get3A_505 : vector<1x16xf32> to vector<16xf32>
      %mul3A_507 = arith.constant 0.0883883461 : f32
      %mul3A_508 = vector.broadcast %mul3A_507 : f32 to vector<16xf32>
      %mul3A_509 = arith.mulf %get3A_506, %mul3A_508 : vector<16xf32>
      %add3A_510 = arith.addf %get3A_502, %mul3A_509 : vector<16xf32>
      %add3A_511 = arith.addf %add3A_510, %mul3A_233 : vector<16xf32>
      %swap3A_512 = arith.index_cast %scan3A_445 : i32 to index
      %swap3A_513 = arith.constant 48 : index
      %swap3A_514 = tpu.vector_load %arg9[%swap3A_512, %swap3A_513] {strides = array<i32>} : memref<256x128xf32, #tpu.memory_space<vmem>>, vector<1x16xf32>,
      %swap3A_515 = vector.shape_cast %swap3A_514 : vector<1x16xf32> to vector<16xf32>
      %swap3A_516 = vector.shape_cast %add3A_511 : vector<16xf32> to vector<1x16xf32>
      tpu.vector_store %arg9[%swap3A_512, %swap3A_513], %swap3A_516 {strides = array<i32>} : memref<256x128xf32, #tpu.memory_space<vmem>>, vector<1x16xf32>,
      %get3A_517 = arith.index_cast %scan3A_445 : i32 to index
      %get3A_518 = arith.constant 64 : index
      %get3A_519 = tpu.vector_load %arg9[%get3A_517, %get3A_518] {strides = array<i32>} : memref<256x128xf32, #tpu.memory_space<vmem>>, vector<1x16xf32>,
      %get3A_520 = vector.shape_cast %get3A_519 : vector<1x16xf32> to vector<16xf32>
      %get3A_521 = arith.index_cast %scan3A_445 : i32 to index
      %get3A_522 = arith.constant 64 : index
      %get3A_523 = tpu.vector_load %arg10[%get3A_521, %get3A_522] {strides = array<i32>} : memref<256x128xf32, #tpu.memory_space<vmem>>, vector<1x16xf32>,
      %get3A_524 = vector.shape_cast %get3A_523 : vector<1x16xf32> to vector<16xf32>
      %mul3A_525 = arith.constant 0.0883883461 : f32
      %mul3A_526 = vector.broadcast %mul3A_525 : f32 to vector<16xf32>
      %mul3A_527 = arith.mulf %get3A_524, %mul3A_526 : vector<16xf32>
      %add3A_528 = arith.addf %get3A_520, %mul3A_527 : vector<16xf32>
      %add3A_529 = arith.addf %add3A_528, %mul3A_240 : vector<16xf32>
      %swap3A_530 = arith.index_cast %scan3A_445 : i32 to index
      %swap3A_531 = arith.constant 64 : index
      %swap3A_532 = tpu.vector_load %arg9[%swap3A_530, %swap3A_531] {strides = array<i32>} : memref<256x128xf32, #tpu.memory_space<vmem>>, vector<1x16xf32>,
      %swap3A_533 = vector.shape_cast %swap3A_532 : vector<1x16xf32> to vector<16xf32>
      %swap3A_534 = vector.shape_cast %add3A_529 : vector<16xf32> to vector<1x16xf32>
      tpu.vector_store %arg9[%swap3A_530, %swap3A_531], %swap3A_534 {strides = array<i32>} : memref<256x128xf32, #tpu.memory_space<vmem>>, vector<1x16xf32>,
      %get3A_535 = arith.index_cast %scan3A_445 : i32 to index
      %get3A_536 = arith.constant 80 : index
      %get3A_537 = tpu.vector_load %arg9[%get3A_535, %get3A_536] {strides = array<i32>} : memref<256x128xf32, #tpu.memory_space<vmem>>, vector<1x16xf32>,
      %get3A_538 = vector.shape_cast %get3A_537 : vector<1x16xf32> to vector<16xf32>
      %get3A_539 = arith.index_cast %scan3A_445 : i32 to index
      %get3A_540 = arith.constant 80 : index
      %get3A_541 = tpu.vector_load %arg10[%get3A_539, %get3A_540] {strides = array<i32>} : memref<256x128xf32, #tpu.memory_space<vmem>>, vector<1x16xf32>,
      %get3A_542 = vector.shape_cast %get3A_541 : vector<1x16xf32> to vector<16xf32>
      %mul3A_543 = arith.constant 0.0883883461 : f32
      %mul3A_544 = vector.broadcast %mul3A_543 : f32 to vector<16xf32>
      %mul3A_545 = arith.mulf %get3A_542, %mul3A_544 : vector<16xf32>
      %add3A_546 = arith.addf %get3A_538, %mul3A_545 : vector<16xf32>
      %add3A_547 = arith.addf %add3A_546, %mul3A_247 : vector<16xf32>
      %swap3A_548 = arith.index_cast %scan3A_445 : i32 to index
      %swap3A_549 = arith.constant 80 : index
      %swap3A_550 = tpu.vector_load %arg9[%swap3A_548, %swap3A_549] {strides = array<i32>} : memref<256x128xf32, #tpu.memory_space<vmem>>, vector<1x16xf32>,
      %swap3A_551 = vector.shape_cast %swap3A_550 : vector<1x16xf32> to vector<16xf32>
      %swap3A_552 = vector.shape_cast %add3A_547 : vector<16xf32> to vector<1x16xf32>
      tpu.vector_store %arg9[%swap3A_548, %swap3A_549], %swap3A_552 {strides = array<i32>} : memref<256x128xf32, #tpu.memory_space<vmem>>, vector<1x16xf32>,
      %get3A_553 = arith.index_cast %scan3A_445 : i32 to index
      %get3A_554 = arith.constant 96 : index
      %get3A_555 = tpu.vector_load %arg9[%get3A_553, %get3A_554] {strides = array<i32>} : memref<256x128xf32, #tpu.memory_space<vmem>>, vector<1x16xf32>,
      %get3A_556 = vector.shape_cast %get3A_555 : vector<1x16xf32> to vector<16xf32>
      %get3A_557 = arith.index_cast %scan3A_445 : i32 to index
      %get3A_558 = arith.constant 96 : index
      %get3A_559 = tpu.vector_load %arg10[%get3A_557, %get3A_558] {strides = array<i32>} : memref<256x128xf32, #tpu.memory_space<vmem>>, vector<1x16xf32>,
      %get3A_560 = vector.shape_cast %get3A_559 : vector<1x16xf32> to vector<16xf32>
      %mul3A_561 = arith.constant 0.0883883461 : f32
      %mul3A_562 = vector.broadcast %mul3A_561 : f32 to vector<16xf32>
      %mul3A_563 = arith.mulf %get3A_560, %mul3A_562 : vector<16xf32>
      %add3A_564 = arith.addf %get3A_556, %mul3A_563 : vector<16xf32>
      %add3A_565 = arith.addf %add3A_564, %mul3A_254 : vector<16xf32>
      %swap3A_566 = arith.index_cast %scan3A_445 : i32 to index
      %swap3A_567 = arith.constant 96 : index
      %swap3A_568 = tpu.vector_load %arg9[%swap3A_566, %swap3A_567] {strides = array<i32>} : memref<256x128xf32, #tpu.memory_space<vmem>>, vector<1x16xf32>,
      %swap3A_569 = vector.shape_cast %swap3A_568 : vector<1x16xf32> to vector<16xf32>
      %swap3A_570 = vector.shape_cast %add3A_565 : vector<16xf32> to vector<1x16xf32>
      tpu.vector_store %arg9[%swap3A_566, %swap3A_567], %swap3A_570 {strides = array<i32>} : memref<256x128xf32, #tpu.memory_space<vmem>>, vector<1x16xf32>,
      %get3A_571 = arith.index_cast %scan3A_445 : i32 to index
      %get3A_572 = arith.constant 112 : index
      %get3A_573 = tpu.vector_load %arg9[%get3A_571, %get3A_572] {strides = array<i32>} : memref<256x128xf32, #tpu.memory_space<vmem>>, vector<1x16xf32>,
      %get3A_574 = vector.shape_cast %get3A_573 : vector<1x16xf32> to vector<16xf32>
      %get3A_575 = arith.index_cast %scan3A_445 : i32 to index
      %get3A_576 = arith.constant 112 : index
      %get3A_577 = tpu.vector_load %arg10[%get3A_575, %get3A_576] {strides = array<i32>} : memref<256x128xf32, #tpu.memory_space<vmem>>, vector<1x16xf32>,
      %get3A_578 = vector.shape_cast %get3A_577 : vector<1x16xf32> to vector<16xf32>
      %mul3A_579 = arith.constant 0.0883883461 : f32
      %mul3A_580 = vector.broadcast %mul3A_579 : f32 to vector<16xf32>
      %mul3A_581 = arith.mulf %get3A_578, %mul3A_580 : vector<16xf32>
      %add3A_582 = arith.addf %get3A_574, %mul3A_581 : vector<16xf32>
      %add3A_583 = arith.addf %add3A_582, %mul3A_261 : vector<16xf32>
      %swap3A_584 = arith.index_cast %scan3A_445 : i32 to index
      %swap3A_585 = arith.constant 112 : index
      %swap3A_586 = tpu.vector_load %arg9[%swap3A_584, %swap3A_585] {strides = array<i32>} : memref<256x128xf32, #tpu.memory_space<vmem>>, vector<1x16xf32>,
      %swap3A_587 = vector.shape_cast %swap3A_586 : vector<1x16xf32> to vector<16xf32>
      %swap3A_588 = vector.shape_cast %add3A_583 : vector<16xf32> to vector<1x16xf32>
      tpu.vector_store %arg9[%swap3A_584, %swap3A_585], %swap3A_588 {strides = array<i32>} : memref<256x128xf32, #tpu.memory_space<vmem>>, vector<1x16xf32>,
    }
    %scan3A_320 = arith.constant 64 : i32
    %add3A_321 = arith.constant 64 : i32
    %add3A_322 = arith.addi %mul3A_2, %add3A_321 : i32
    %dma_start3A_323 = arith.constant 64 : i32
    %dma_start3A_324 = arith.constant 0 : i32
    %dma_start3A_325 = tpu.memref_slice %arg9[%dma_start3A_323, %dma_start3A_324] : memref<256x128xf32, #tpu.memory_space<vmem>> -> memref<64x128xf32, #tpu.memory_space<vmem>>
    %dma_start3A_326 = arith.constant 0 : i32
    %dma_start3A_327 = tpu.memref_slice %arg7[%add3A_322, %dma_start3A_326] : memref<8192x128xf32, #tpu.memory_space<hbm>> -> memref<64x128xf32, #tpu.memory_space<hbm>>
    %dma_start3A_328 = arith.constant 0 : i32
    %dma_start3A_329 = tpu.memref_slice %arg7[%add3A_322, %dma_start3A_328] : memref<8192x128xf32, #tpu.memory_space<hbm>> -> memref<64x128xf32, #tpu.memory_space<hbm>>
    %dma_start3A_330 = arith.constant 64 : i32
    %dma_start3A_331 = arith.constant 0 : i32
    %dma_start3A_332 = tpu.memref_slice %arg9[%dma_start3A_330, %dma_start3A_331] : memref<256x128xf32, #tpu.memory_space<vmem>> -> memref<64x128xf32, #tpu.memory_space<vmem>>
    tpu.enqueue_dma source(%dma_start3A_332 : memref<64x128xf32, #tpu.memory_space<vmem>>) target(%dma_start3A_329 : memref<64x128xf32, #tpu.memory_space<hbm>>) target_semaphore(%arg24 : memref<!tpu.dma_semaphore, #tpu.memory_space<semaphore_mem>>)
    %dma_wait3A_333 = arith.constant 128 : i32
    %dma_wait3A_334 = arith.constant 0 : i32
    %dma_wait3A_335 = tpu.memref_slice %arg9[%dma_wait3A_333, %dma_wait3A_334] : memref<256x128xf32, #tpu.memory_space<vmem>> -> memref<64x128xf32, #tpu.memory_space<vmem>>
    %dma_wait3A_336 = arith.constant 128 : i32
    %dma_wait3A_337 = tpu.memref_slice %arg8[%dma_wait3A_336] : memref<256xi32, #tpu.memory_space<vmem>> -> memref<64xi32, #tpu.memory_space<vmem>>
    %dma_wait3A_338 = arith.constant 0 : i32
    %dma_wait3A_339 = arith.constant 0 : i32
    %dma_wait3A_340 = tpu.memref_slice %arg3[%dma_wait3A_338, %dma_wait3A_339] : memref<1000000x128xf32, #tpu.memory_space<hbm>> -> memref<1000000x128xf32, #tpu.memory_space<hbm>>
    tpu.wait_indirect_dma semaphore(%arg16 : memref<!tpu.dma_semaphore, #tpu.memory_space<semaphore_mem>>) src(%dma_wait3A_340 : memref<1000000x128xf32, #tpu.memory_space<hbm>>) dst(%dma_wait3A_335 : memref<64x128xf32, #tpu.memory_space<vmem>>)
    %dma_wait3A_341 = arith.constant 128 : i32
    %dma_wait3A_342 = arith.constant 0 : i32
    %dma_wait3A_343 = tpu.memref_slice %arg10[%dma_wait3A_341, %dma_wait3A_342] : memref<256x128xf32, #tpu.memory_space<vmem>> -> memref<64x128xf32, #tpu.memory_space<vmem>>
    %dma_wait3A_344 = arith.constant 0 : i32
    %dma_wait3A_345 = tpu.memref_slice %arg13[%add3A_175, %dma_wait3A_344] : memref<1024x128xf32, #tpu.memory_space<vmem_shared>> -> memref<64x128xf32, #tpu.memory_space<vmem_shared>>
    %dma_wait3A_346 = arith.constant 128 : i32
    %dma_wait3A_347 = arith.constant 0 : i32
    %dma_wait3A_348 = tpu.memref_slice %arg10[%dma_wait3A_346, %dma_wait3A_347] : memref<256x128xf32, #tpu.memory_space<vmem>> -> memref<64x128xf32, #tpu.memory_space<vmem>>
    %dma_wait3A_349 = arith.constant 0 : i32
    %dma_wait3A_350 = tpu.memref_slice %arg13[%add3A_175, %dma_wait3A_349] : memref<1024x128xf32, #tpu.memory_space<vmem_shared>> -> memref<64x128xf32, #tpu.memory_space<vmem_shared>>
    tpu.wait_dma2 semaphore(%arg20 : memref<!tpu.dma_semaphore, #tpu.memory_space<semaphore_mem>>) src(%dma_wait3A_350 : memref<64x128xf32, #tpu.memory_space<vmem_shared>>) dst(%dma_wait3A_348 : memref<64x128xf32, #tpu.memory_space<vmem>>)
    %scan3A_351 = arith.constant 0 : i32
    %scan3A_352 = arith.constant 128 : i32
    %scan3A_353 = arith.constant 64 : i32
    %scan3A_354 = arith.addi %scan3A_352, %scan3A_353 : i32
    %scan3A_355 = arith.constant 1 : i32
    scf.for %scan3A_445 = %scan3A_352 to %scan3A_354 step %scan3A_355  : i32 {
      %get3A_446 = arith.index_cast %scan3A_445 : i32 to index
      %get3A_447 = arith.constant 0 : index
      %get3A_448 = tpu.vector_load %arg9[%get3A_446, %get3A_447] {strides = array<i32>} : memref<256x128xf32, #tpu.memory_space<vmem>>, vector<1x16xf32>,
      %get3A_449 = vector.shape_cast %get3A_448 : vector<1x16xf32> to vector<16xf32>
      %get3A_450 = arith.index_cast %scan3A_445 : i32 to index
      %get3A_451 = arith.constant 0 : index
      %get3A_452 = tpu.vector_load %arg10[%get3A_450, %get3A_451] {strides = array<i32>} : memref<256x128xf32, #tpu.memory_space<vmem>>, vector<1x16xf32>,
      %get3A_453 = vector.shape_cast %get3A_452 : vector<1x16xf32> to vector<16xf32>
      %mul3A_454 = arith.constant 0.0883883461 : f32
      %mul3A_455 = vector.broadcast %mul3A_454 : f32 to vector<16xf32>
      %mul3A_456 = arith.mulf %get3A_453, %mul3A_455 : vector<16xf32>
      %add3A_457 = arith.addf %get3A_449, %mul3A_456 : vector<16xf32>
      %add3A_458 = arith.addf %add3A_457, %mul3A_212 : vector<16xf32>
      %swap3A = arith.index_cast %scan3A_445 : i32 to index
      %swap3A_459 = arith.constant 0 : index
      %swap3A_460 = tpu.vector_load %arg9[%swap3A, %swap3A_459] {strides = array<i32>} : memref<256x128xf32, #tpu.memory_space<vmem>>, vector<1x16xf32>,
      %swap3A_461 = vector.shape_cast %swap3A_460 : vector<1x16xf32> to vector<16xf32>
      %swap3A_462 = vector.shape_cast %add3A_458 : vector<16xf32> to vector<1x16xf32>
      tpu.vector_store %arg9[%swap3A, %swap3A_459], %swap3A_462 {strides = array<i32>} : memref<256x128xf32, #tpu.memory_space<vmem>>, vector<1x16xf32>,
      %get3A_463 = arith.index_cast %scan3A_445 : i32 to index
      %get3A_464 = arith.constant 16 : index
      %get3A_465 = tpu.vector_load %arg9[%get3A_463, %get3A_464] {strides = array<i32>} : memref<256x128xf32, #tpu.memory_space<vmem>>, vector<1x16xf32>,
      %get3A_466 = vector.shape_cast %get3A_465 : vector<1x16xf32> to vector<16xf32>
      %get3A_467 = arith.index_cast %scan3A_445 : i32 to index
      %get3A_468 = arith.constant 16 : index
      %get3A_469 = tpu.vector_load %arg10[%get3A_467, %get3A_468] {strides = array<i32>} : memref<256x128xf32, #tpu.memory_space<vmem>>, vector<1x16xf32>,
      %get3A_470 = vector.shape_cast %get3A_469 : vector<1x16xf32> to vector<16xf32>
      %mul3A_471 = arith.constant 0.0883883461 : f32
      %mul3A_472 = vector.broadcast %mul3A_471 : f32 to vector<16xf32>
      %mul3A_473 = arith.mulf %get3A_470, %mul3A_472 : vector<16xf32>
      %add3A_474 = arith.addf %get3A_466, %mul3A_473 : vector<16xf32>
      %add3A_475 = arith.addf %add3A_474, %mul3A_219 : vector<16xf32>
      %swap3A_476 = arith.index_cast %scan3A_445 : i32 to index
      %swap3A_477 = arith.constant 16 : index
      %swap3A_478 = tpu.vector_load %arg9[%swap3A_476, %swap3A_477] {strides = array<i32>} : memref<256x128xf32, #tpu.memory_space<vmem>>, vector<1x16xf32>,
      %swap3A_479 = vector.shape_cast %swap3A_478 : vector<1x16xf32> to vector<16xf32>
      %swap3A_480 = vector.shape_cast %add3A_475 : vector<16xf32> to vector<1x16xf32>
      tpu.vector_store %arg9[%swap3A_476, %swap3A_477], %swap3A_480 {strides = array<i32>} : memref<256x128xf32, #tpu.memory_space<vmem>>, vector<1x16xf32>,
      %get3A_481 = arith.index_cast %scan3A_445 : i32 to index
      %get3A_482 = arith.constant 32 : index
      %get3A_483 = tpu.vector_load %arg9[%get3A_481, %get3A_482] {strides = array<i32>} : memref<256x128xf32, #tpu.memory_space<vmem>>, vector<1x16xf32>,
      %get3A_484 = vector.shape_cast %get3A_483 : vector<1x16xf32> to vector<16xf32>
      %get3A_485 = arith.index_cast %scan3A_445 : i32 to index
      %get3A_486 = arith.constant 32 : index
      %get3A_487 = tpu.vector_load %arg10[%get3A_485, %get3A_486] {strides = array<i32>} : memref<256x128xf32, #tpu.memory_space<vmem>>, vector<1x16xf32>,
      %get3A_488 = vector.shape_cast %get3A_487 : vector<1x16xf32> to vector<16xf32>
      %mul3A_489 = arith.constant 0.0883883461 : f32
      %mul3A_490 = vector.broadcast %mul3A_489 : f32 to vector<16xf32>
      %mul3A_491 = arith.mulf %get3A_488, %mul3A_490 : vector<16xf32>
      %add3A_492 = arith.addf %get3A_484, %mul3A_491 : vector<16xf32>
      %add3A_493 = arith.addf %add3A_492, %mul3A_226 : vector<16xf32>
      %swap3A_494 = arith.index_cast %scan3A_445 : i32 to index
      %swap3A_495 = arith.constant 32 : index
      %swap3A_496 = tpu.vector_load %arg9[%swap3A_494, %swap3A_495] {strides = array<i32>} : memref<256x128xf32, #tpu.memory_space<vmem>>, vector<1x16xf32>,
      %swap3A_497 = vector.shape_cast %swap3A_496 : vector<1x16xf32> to vector<16xf32>
      %swap3A_498 = vector.shape_cast %add3A_493 : vector<16xf32> to vector<1x16xf32>
      tpu.vector_store %arg9[%swap3A_494, %swap3A_495], %swap3A_498 {strides = array<i32>} : memref<256x128xf32, #tpu.memory_space<vmem>>, vector<1x16xf32>,
      %get3A_499 = arith.index_cast %scan3A_445 : i32 to index
      %get3A_500 = arith.constant 48 : index
      %get3A_501 = tpu.vector_load %arg9[%get3A_499, %get3A_500] {strides = array<i32>} : memref<256x128xf32, #tpu.memory_space<vmem>>, vector<1x16xf32>,
      %get3A_502 = vector.shape_cast %get3A_501 : vector<1x16xf32> to vector<16xf32>
      %get3A_503 = arith.index_cast %scan3A_445 : i32 to index
      %get3A_504 = arith.constant 48 : index
      %get3A_505 = tpu.vector_load %arg10[%get3A_503, %get3A_504] {strides = array<i32>} : memref<256x128xf32, #tpu.memory_space<vmem>>, vector<1x16xf32>,
      %get3A_506 = vector.shape_cast %get3A_505 : vector<1x16xf32> to vector<16xf32>
      %mul3A_507 = arith.constant 0.0883883461 : f32
      %mul3A_508 = vector.broadcast %mul3A_507 : f32 to vector<16xf32>
      %mul3A_509 = arith.mulf %get3A_506, %mul3A_508 : vector<16xf32>
      %add3A_510 = arith.addf %get3A_502, %mul3A_509 : vector<16xf32>
      %add3A_511 = arith.addf %add3A_510, %mul3A_233 : vector<16xf32>
      %swap3A_512 = arith.index_cast %scan3A_445 : i32 to index
      %swap3A_513 = arith.constant 48 : index
      %swap3A_514 = tpu.vector_load %arg9[%swap3A_512, %swap3A_513] {strides = array<i32>} : memref<256x128xf32, #tpu.memory_space<vmem>>, vector<1x16xf32>,
      %swap3A_515 = vector.shape_cast %swap3A_514 : vector<1x16xf32> to vector<16xf32>
      %swap3A_516 = vector.shape_cast %add3A_511 : vector<16xf32> to vector<1x16xf32>
      tpu.vector_store %arg9[%swap3A_512, %swap3A_513], %swap3A_516 {strides = array<i32>} : memref<256x128xf32, #tpu.memory_space<vmem>>, vector<1x16xf32>,
      %get3A_517 = arith.index_cast %scan3A_445 : i32 to index
      %get3A_518 = arith.constant 64 : index
      %get3A_519 = tpu.vector_load %arg9[%get3A_517, %get3A_518] {strides = array<i32>} : memref<256x128xf32, #tpu.memory_space<vmem>>, vector<1x16xf32>,
      %get3A_520 = vector.shape_cast %get3A_519 : vector<1x16xf32> to vector<16xf32>
      %get3A_521 = arith.index_cast %scan3A_445 : i32 to index
      %get3A_522 = arith.constant 64 : index
      %get3A_523 = tpu.vector_load %arg10[%get3A_521, %get3A_522] {strides = array<i32>} : memref<256x128xf32, #tpu.memory_space<vmem>>, vector<1x16xf32>,
      %get3A_524 = vector.shape_cast %get3A_523 : vector<1x16xf32> to vector<16xf32>
      %mul3A_525 = arith.constant 0.0883883461 : f32
      %mul3A_526 = vector.broadcast %mul3A_525 : f32 to vector<16xf32>
      %mul3A_527 = arith.mulf %get3A_524, %mul3A_526 : vector<16xf32>
      %add3A_528 = arith.addf %get3A_520, %mul3A_527 : vector<16xf32>
      %add3A_529 = arith.addf %add3A_528, %mul3A_240 : vector<16xf32>
      %swap3A_530 = arith.index_cast %scan3A_445 : i32 to index
      %swap3A_531 = arith.constant 64 : index
      %swap3A_532 = tpu.vector_load %arg9[%swap3A_530, %swap3A_531] {strides = array<i32>} : memref<256x128xf32, #tpu.memory_space<vmem>>, vector<1x16xf32>,
      %swap3A_533 = vector.shape_cast %swap3A_532 : vector<1x16xf32> to vector<16xf32>
      %swap3A_534 = vector.shape_cast %add3A_529 : vector<16xf32> to vector<1x16xf32>
      tpu.vector_store %arg9[%swap3A_530, %swap3A_531], %swap3A_534 {strides = array<i32>} : memref<256x128xf32, #tpu.memory_space<vmem>>, vector<1x16xf32>,
      %get3A_535 = arith.index_cast %scan3A_445 : i32 to index
      %get3A_536 = arith.constant 80 : index
      %get3A_537 = tpu.vector_load %arg9[%get3A_535, %get3A_536] {strides = array<i32>} : memref<256x128xf32, #tpu.memory_space<vmem>>, vector<1x16xf32>,
      %get3A_538 = vector.shape_cast %get3A_537 : vector<1x16xf32> to vector<16xf32>
      %get3A_539 = arith.index_cast %scan3A_445 : i32 to index
      %get3A_540 = arith.constant 80 : index
      %get3A_541 = tpu.vector_load %arg10[%get3A_539, %get3A_540] {strides = array<i32>} : memref<256x128xf32, #tpu.memory_space<vmem>>, vector<1x16xf32>,
      %get3A_542 = vector.shape_cast %get3A_541 : vector<1x16xf32> to vector<16xf32>
      %mul3A_543 = arith.constant 0.0883883461 : f32
      %mul3A_544 = vector.broadcast %mul3A_543 : f32 to vector<16xf32>
      %mul3A_545 = arith.mulf %get3A_542, %mul3A_544 : vector<16xf32>
      %add3A_546 = arith.addf %get3A_538, %mul3A_545 : vector<16xf32>
      %add3A_547 = arith.addf %add3A_546, %mul3A_247 : vector<16xf32>
      %swap3A_548 = arith.index_cast %scan3A_445 : i32 to index
      %swap3A_549 = arith.constant 80 : index
      %swap3A_550 = tpu.vector_load %arg9[%swap3A_548, %swap3A_549] {strides = array<i32>} : memref<256x128xf32, #tpu.memory_space<vmem>>, vector<1x16xf32>,
      %swap3A_551 = vector.shape_cast %swap3A_550 : vector<1x16xf32> to vector<16xf32>
      %swap3A_552 = vector.shape_cast %add3A_547 : vector<16xf32> to vector<1x16xf32>
      tpu.vector_store %arg9[%swap3A_548, %swap3A_549], %swap3A_552 {strides = array<i32>} : memref<256x128xf32, #tpu.memory_space<vmem>>, vector<1x16xf32>,
      %get3A_553 = arith.index_cast %scan3A_445 : i32 to index
      %get3A_554 = arith.constant 96 : index
      %get3A_555 = tpu.vector_load %arg9[%get3A_553, %get3A_554] {strides = array<i32>} : memref<256x128xf32, #tpu.memory_space<vmem>>, vector<1x16xf32>,
      %get3A_556 = vector.shape_cast %get3A_555 : vector<1x16xf32> to vector<16xf32>
      %get3A_557 = arith.index_cast %scan3A_445 : i32 to index
      %get3A_558 = arith.constant 96 : index
      %get3A_559 = tpu.vector_load %arg10[%get3A_557, %get3A_558] {strides = array<i32>} : memref<256x128xf32, #tpu.memory_space<vmem>>, vector<1x16xf32>,
      %get3A_560 = vector.shape_cast %get3A_559 : vector<1x16xf32> to vector<16xf32>
      %mul3A_561 = arith.constant 0.0883883461 : f32
      %mul3A_562 = vector.broadcast %mul3A_561 : f32 to vector<16xf32>
      %mul3A_563 = arith.mulf %get3A_560, %mul3A_562 : vector<16xf32>
      %add3A_564 = arith.addf %get3A_556, %mul3A_563 : vector<16xf32>
      %add3A_565 = arith.addf %add3A_564, %mul3A_254 : vector<16xf32>
      %swap3A_566 = arith.index_cast %scan3A_445 : i32 to index
      %swap3A_567 = arith.constant 96 : index
      %swap3A_568 = tpu.vector_load %arg9[%swap3A_566, %swap3A_567] {strides = array<i32>} : memref<256x128xf32, #tpu.memory_space<vmem>>, vector<1x16xf32>,
      %swap3A_569 = vector.shape_cast %swap3A_568 : vector<1x16xf32> to vector<16xf32>
      %swap3A_570 = vector.shape_cast %add3A_565 : vector<16xf32> to vector<1x16xf32>
      tpu.vector_store %arg9[%swap3A_566, %swap3A_567], %swap3A_570 {strides = array<i32>} : memref<256x128xf32, #tpu.memory_space<vmem>>, vector<1x16xf32>,
      %get3A_571 = arith.index_cast %scan3A_445 : i32 to index
      %get3A_572 = arith.constant 112 : index
      %get3A_573 = tpu.vector_load %arg9[%get3A_571, %get3A_572] {strides = array<i32>} : memref<256x128xf32, #tpu.memory_space<vmem>>, vector<1x16xf32>,
      %get3A_574 = vector.shape_cast %get3A_573 : vector<1x16xf32> to vector<16xf32>
      %get3A_575 = arith.index_cast %scan3A_445 : i32 to index
      %get3A_576 = arith.constant 112 : index
      %get3A_577 = tpu.vector_load %arg10[%get3A_575, %get3A_576] {strides = array<i32>} : memref<256x128xf32, #tpu.memory_space<vmem>>, vector<1x16xf32>,
      %get3A_578 = vector.shape_cast %get3A_577 : vector<1x16xf32> to vector<16xf32>
      %mul3A_579 = arith.constant 0.0883883461 : f32
      %mul3A_580 = vector.broadcast %mul3A_579 : f32 to vector<16xf32>
      %mul3A_581 = arith.mulf %get3A_578, %mul3A_580 : vector<16xf32>
      %add3A_582 = arith.addf %get3A_574, %mul3A_581 : vector<16xf32>
      %add3A_583 = arith.addf %add3A_582, %mul3A_261 : vector<16xf32>
      %swap3A_584 = arith.index_cast %scan3A_445 : i32 to index
      %swap3A_585 = arith.constant 112 : index
      %swap3A_586 = tpu.vector_load %arg9[%swap3A_584, %swap3A_585] {strides = array<i32>} : memref<256x128xf32, #tpu.memory_space<vmem>>, vector<1x16xf32>,
      %swap3A_587 = vector.shape_cast %swap3A_586 : vector<1x16xf32> to vector<16xf32>
      %swap3A_588 = vector.shape_cast %add3A_583 : vector<16xf32> to vector<1x16xf32>
      tpu.vector_store %arg9[%swap3A_584, %swap3A_585], %swap3A_588 {strides = array<i32>} : memref<256x128xf32, #tpu.memory_space<vmem>>, vector<1x16xf32>,
    }
    %scan3A_356 = arith.constant 64 : i32
    %add3A_357 = arith.constant 128 : i32
    %add3A_358 = arith.addi %mul3A_2, %add3A_357 : i32
    %dma_start3A_359 = arith.constant 128 : i32
    %dma_start3A_360 = arith.constant 0 : i32
    %dma_start3A_361 = tpu.memref_slice %arg9[%dma_start3A_359, %dma_start3A_360] : memref<256x128xf32, #tpu.memory_space<vmem>> -> memref<64x128xf32, #tpu.memory_space<vmem>>
    %dma_start3A_362 = arith.constant 0 : i32
    %dma_start3A_363 = tpu.memref_slice %arg7[%add3A_358, %dma_start3A_362] : memref<8192x128xf32, #tpu.memory_space<hbm>> -> memref<64x128xf32, #tpu.memory_space<hbm>>
    %dma_start3A_364 = arith.constant 0 : i32
    %dma_start3A_365 = tpu.memref_slice %arg7[%add3A_358, %dma_start3A_364] : memref<8192x128xf32, #tpu.memory_space<hbm>> -> memref<64x128xf32, #tpu.memory_space<hbm>>
    %dma_start3A_366 = arith.constant 128 : i32
    %dma_start3A_367 = arith.constant 0 : i32
    %dma_start3A_368 = tpu.memref_slice %arg9[%dma_start3A_366, %dma_start3A_367] : memref<256x128xf32, #tpu.memory_space<vmem>> -> memref<64x128xf32, #tpu.memory_space<vmem>>
    tpu.enqueue_dma source(%dma_start3A_368 : memref<64x128xf32, #tpu.memory_space<vmem>>) target(%dma_start3A_365 : memref<64x128xf32, #tpu.memory_space<hbm>>) target_semaphore(%arg24 : memref<!tpu.dma_semaphore, #tpu.memory_space<semaphore_mem>>)
    %dma_wait3A_369 = arith.constant 192 : i32
    %dma_wait3A_370 = arith.constant 0 : i32
    %dma_wait3A_371 = tpu.memref_slice %arg9[%dma_wait3A_369, %dma_wait3A_370] : memref<256x128xf32, #tpu.memory_space<vmem>> -> memref<64x128xf32, #tpu.memory_space<vmem>>
    %dma_wait3A_372 = arith.constant 192 : i32
    %dma_wait3A_373 = tpu.memref_slice %arg8[%dma_wait3A_372] : memref<256xi32, #tpu.memory_space<vmem>> -> memref<64xi32, #tpu.memory_space<vmem>>
    %dma_wait3A_374 = arith.constant 0 : i32
    %dma_wait3A_375 = arith.constant 0 : i32
    %dma_wait3A_376 = tpu.memref_slice %arg3[%dma_wait3A_374, %dma_wait3A_375] : memref<1000000x128xf32, #tpu.memory_space<hbm>> -> memref<1000000x128xf32, #tpu.memory_space<hbm>>
    tpu.wait_indirect_dma semaphore(%arg17 : memref<!tpu.dma_semaphore, #tpu.memory_space<semaphore_mem>>) src(%dma_wait3A_376 : memref<1000000x128xf32, #tpu.memory_space<hbm>>) dst(%dma_wait3A_371 : memref<64x128xf32, #tpu.memory_space<vmem>>)
    %dma_wait3A_377 = arith.constant 192 : i32
    %dma_wait3A_378 = arith.constant 0 : i32
    %dma_wait3A_379 = tpu.memref_slice %arg10[%dma_wait3A_377, %dma_wait3A_378] : memref<256x128xf32, #tpu.memory_space<vmem>> -> memref<64x128xf32, #tpu.memory_space<vmem>>
    %dma_wait3A_380 = arith.constant 0 : i32
    %dma_wait3A_381 = tpu.memref_slice %arg13[%add3A_187, %dma_wait3A_380] : memref<1024x128xf32, #tpu.memory_space<vmem_shared>> -> memref<64x128xf32, #tpu.memory_space<vmem_shared>>
    %dma_wait3A_382 = arith.constant 192 : i32
    %dma_wait3A_383 = arith.constant 0 : i32
    %dma_wait3A_384 = tpu.memref_slice %arg10[%dma_wait3A_382, %dma_wait3A_383] : memref<256x128xf32, #tpu.memory_space<vmem>> -> memref<64x128xf32, #tpu.memory_space<vmem>>
    %dma_wait3A_385 = arith.constant 0 : i32
    %dma_wait3A_386 = tpu.memref_slice %arg13[%add3A_187, %dma_wait3A_385] : memref<1024x128xf32, #tpu.memory_space<vmem_shared>> -> memref<64x128xf32, #tpu.memory_space<vmem_shared>>
    tpu.wait_dma2 semaphore(%arg21 : memref<!tpu.dma_semaphore, #tpu.memory_space<semaphore_mem>>) src(%dma_wait3A_386 : memref<64x128xf32, #tpu.memory_space<vmem_shared>>) dst(%dma_wait3A_384 : memref<64x128xf32, #tpu.memory_space<vmem>>)
    %scan3A_387 = arith.constant 0 : i32
    %scan3A_388 = arith.constant 192 : i32
    %scan3A_389 = arith.constant 64 : i32
    %scan3A_390 = arith.addi %scan3A_388, %scan3A_389 : i32
    %scan3A_391 = arith.constant 1 : i32
    scf.for %scan3A_445 = %scan3A_388 to %scan3A_390 step %scan3A_391  : i32 {
      %get3A_446 = arith.index_cast %scan3A_445 : i32 to index
      %get3A_447 = arith.constant 0 : index
      %get3A_448 = tpu.vector_load %arg9[%get3A_446, %get3A_447] {strides = array<i32>} : memref<256x128xf32, #tpu.memory_space<vmem>>, vector<1x16xf32>,
      %get3A_449 = vector.shape_cast %get3A_448 : vector<1x16xf32> to vector<16xf32>
      %get3A_450 = arith.index_cast %scan3A_445 : i32 to index
      %get3A_451 = arith.constant 0 : index
      %get3A_452 = tpu.vector_load %arg10[%get3A_450, %get3A_451] {strides = array<i32>} : memref<256x128xf32, #tpu.memory_space<vmem>>, vector<1x16xf32>,
      %get3A_453 = vector.shape_cast %get3A_452 : vector<1x16xf32> to vector<16xf32>
      %mul3A_454 = arith.constant 0.0883883461 : f32
      %mul3A_455 = vector.broadcast %mul3A_454 : f32 to vector<16xf32>
      %mul3A_456 = arith.mulf %get3A_453, %mul3A_455 : vector<16xf32>
      %add3A_457 = arith.addf %get3A_449, %mul3A_456 : vector<16xf32>
      %add3A_458 = arith.addf %add3A_457, %mul3A_212 : vector<16xf32>
      %swap3A = arith.index_cast %scan3A_445 : i32 to index
      %swap3A_459 = arith.constant 0 : index
      %swap3A_460 = tpu.vector_load %arg9[%swap3A, %swap3A_459] {strides = array<i32>} : memref<256x128xf32, #tpu.memory_space<vmem>>, vector<1x16xf32>,
      %swap3A_461 = vector.shape_cast %swap3A_460 : vector<1x16xf32> to vector<16xf32>
      %swap3A_462 = vector.shape_cast %add3A_458 : vector<16xf32> to vector<1x16xf32>
      tpu.vector_store %arg9[%swap3A, %swap3A_459], %swap3A_462 {strides = array<i32>} : memref<256x128xf32, #tpu.memory_space<vmem>>, vector<1x16xf32>,
      %get3A_463 = arith.index_cast %scan3A_445 : i32 to index
      %get3A_464 = arith.constant 16 : index
      %get3A_465 = tpu.vector_load %arg9[%get3A_463, %get3A_464] {strides = array<i32>} : memref<256x128xf32, #tpu.memory_space<vmem>>, vector<1x16xf32>,
      %get3A_466 = vector.shape_cast %get3A_465 : vector<1x16xf32> to vector<16xf32>
      %get3A_467 = arith.index_cast %scan3A_445 : i32 to index
      %get3A_468 = arith.constant 16 : index
      %get3A_469 = tpu.vector_load %arg10[%get3A_467, %get3A_468] {strides = array<i32>} : memref<256x128xf32, #tpu.memory_space<vmem>>, vector<1x16xf32>,
      %get3A_470 = vector.shape_cast %get3A_469 : vector<1x16xf32> to vector<16xf32>
      %mul3A_471 = arith.constant 0.0883883461 : f32
      %mul3A_472 = vector.broadcast %mul3A_471 : f32 to vector<16xf32>
      %mul3A_473 = arith.mulf %get3A_470, %mul3A_472 : vector<16xf32>
      %add3A_474 = arith.addf %get3A_466, %mul3A_473 : vector<16xf32>
      %add3A_475 = arith.addf %add3A_474, %mul3A_219 : vector<16xf32>
      %swap3A_476 = arith.index_cast %scan3A_445 : i32 to index
      %swap3A_477 = arith.constant 16 : index
      %swap3A_478 = tpu.vector_load %arg9[%swap3A_476, %swap3A_477] {strides = array<i32>} : memref<256x128xf32, #tpu.memory_space<vmem>>, vector<1x16xf32>,
      %swap3A_479 = vector.shape_cast %swap3A_478 : vector<1x16xf32> to vector<16xf32>
      %swap3A_480 = vector.shape_cast %add3A_475 : vector<16xf32> to vector<1x16xf32>
      tpu.vector_store %arg9[%swap3A_476, %swap3A_477], %swap3A_480 {strides = array<i32>} : memref<256x128xf32, #tpu.memory_space<vmem>>, vector<1x16xf32>,
      %get3A_481 = arith.index_cast %scan3A_445 : i32 to index
      %get3A_482 = arith.constant 32 : index
      %get3A_483 = tpu.vector_load %arg9[%get3A_481, %get3A_482] {strides = array<i32>} : memref<256x128xf32, #tpu.memory_space<vmem>>, vector<1x16xf32>,
      %get3A_484 = vector.shape_cast %get3A_483 : vector<1x16xf32> to vector<16xf32>
      %get3A_485 = arith.index_cast %scan3A_445 : i32 to index
      %get3A_486 = arith.constant 32 : index
      %get3A_487 = tpu.vector_load %arg10[%get3A_485, %get3A_486] {strides = array<i32>} : memref<256x128xf32, #tpu.memory_space<vmem>>, vector<1x16xf32>,
      %get3A_488 = vector.shape_cast %get3A_487 : vector<1x16xf32> to vector<16xf32>
      %mul3A_489 = arith.constant 0.0883883461 : f32
      %mul3A_490 = vector.broadcast %mul3A_489 : f32 to vector<16xf32>
      %mul3A_491 = arith.mulf %get3A_488, %mul3A_490 : vector<16xf32>
      %add3A_492 = arith.addf %get3A_484, %mul3A_491 : vector<16xf32>
      %add3A_493 = arith.addf %add3A_492, %mul3A_226 : vector<16xf32>
      %swap3A_494 = arith.index_cast %scan3A_445 : i32 to index
      %swap3A_495 = arith.constant 32 : index
      %swap3A_496 = tpu.vector_load %arg9[%swap3A_494, %swap3A_495] {strides = array<i32>} : memref<256x128xf32, #tpu.memory_space<vmem>>, vector<1x16xf32>,
      %swap3A_497 = vector.shape_cast %swap3A_496 : vector<1x16xf32> to vector<16xf32>
      %swap3A_498 = vector.shape_cast %add3A_493 : vector<16xf32> to vector<1x16xf32>
      tpu.vector_store %arg9[%swap3A_494, %swap3A_495], %swap3A_498 {strides = array<i32>} : memref<256x128xf32, #tpu.memory_space<vmem>>, vector<1x16xf32>,
      %get3A_499 = arith.index_cast %scan3A_445 : i32 to index
      %get3A_500 = arith.constant 48 : index
      %get3A_501 = tpu.vector_load %arg9[%get3A_499, %get3A_500] {strides = array<i32>} : memref<256x128xf32, #tpu.memory_space<vmem>>, vector<1x16xf32>,
      %get3A_502 = vector.shape_cast %get3A_501 : vector<1x16xf32> to vector<16xf32>
      %get3A_503 = arith.index_cast %scan3A_445 : i32 to index
      %get3A_504 = arith.constant 48 : index
      %get3A_505 = tpu.vector_load %arg10[%get3A_503, %get3A_504] {strides = array<i32>} : memref<256x128xf32, #tpu.memory_space<vmem>>, vector<1x16xf32>,
      %get3A_506 = vector.shape_cast %get3A_505 : vector<1x16xf32> to vector<16xf32>
      %mul3A_507 = arith.constant 0.0883883461 : f32
      %mul3A_508 = vector.broadcast %mul3A_507 : f32 to vector<16xf32>
      %mul3A_509 = arith.mulf %get3A_506, %mul3A_508 : vector<16xf32>
      %add3A_510 = arith.addf %get3A_502, %mul3A_509 : vector<16xf32>
      %add3A_511 = arith.addf %add3A_510, %mul3A_233 : vector<16xf32>
      %swap3A_512 = arith.index_cast %scan3A_445 : i32 to index
      %swap3A_513 = arith.constant 48 : index
      %swap3A_514 = tpu.vector_load %arg9[%swap3A_512, %swap3A_513] {strides = array<i32>} : memref<256x128xf32, #tpu.memory_space<vmem>>, vector<1x16xf32>,
      %swap3A_515 = vector.shape_cast %swap3A_514 : vector<1x16xf32> to vector<16xf32>
      %swap3A_516 = vector.shape_cast %add3A_511 : vector<16xf32> to vector<1x16xf32>
      tpu.vector_store %arg9[%swap3A_512, %swap3A_513], %swap3A_516 {strides = array<i32>} : memref<256x128xf32, #tpu.memory_space<vmem>>, vector<1x16xf32>,
      %get3A_517 = arith.index_cast %scan3A_445 : i32 to index
      %get3A_518 = arith.constant 64 : index
      %get3A_519 = tpu.vector_load %arg9[%get3A_517, %get3A_518] {strides = array<i32>} : memref<256x128xf32, #tpu.memory_space<vmem>>, vector<1x16xf32>,
      %get3A_520 = vector.shape_cast %get3A_519 : vector<1x16xf32> to vector<16xf32>
      %get3A_521 = arith.index_cast %scan3A_445 : i32 to index
      %get3A_522 = arith.constant 64 : index
      %get3A_523 = tpu.vector_load %arg10[%get3A_521, %get3A_522] {strides = array<i32>} : memref<256x128xf32, #tpu.memory_space<vmem>>, vector<1x16xf32>,
      %get3A_524 = vector.shape_cast %get3A_523 : vector<1x16xf32> to vector<16xf32>
      %mul3A_525 = arith.constant 0.0883883461 : f32
      %mul3A_526 = vector.broadcast %mul3A_525 : f32 to vector<16xf32>
      %mul3A_527 = arith.mulf %get3A_524, %mul3A_526 : vector<16xf32>
      %add3A_528 = arith.addf %get3A_520, %mul3A_527 : vector<16xf32>
      %add3A_529 = arith.addf %add3A_528, %mul3A_240 : vector<16xf32>
      %swap3A_530 = arith.index_cast %scan3A_445 : i32 to index
      %swap3A_531 = arith.constant 64 : index
      %swap3A_532 = tpu.vector_load %arg9[%swap3A_530, %swap3A_531] {strides = array<i32>} : memref<256x128xf32, #tpu.memory_space<vmem>>, vector<1x16xf32>,
      %swap3A_533 = vector.shape_cast %swap3A_532 : vector<1x16xf32> to vector<16xf32>
      %swap3A_534 = vector.shape_cast %add3A_529 : vector<16xf32> to vector<1x16xf32>
      tpu.vector_store %arg9[%swap3A_530, %swap3A_531], %swap3A_534 {strides = array<i32>} : memref<256x128xf32, #tpu.memory_space<vmem>>, vector<1x16xf32>,
      %get3A_535 = arith.index_cast %scan3A_445 : i32 to index
      %get3A_536 = arith.constant 80 : index
      %get3A_537 = tpu.vector_load %arg9[%get3A_535, %get3A_536] {strides = array<i32>} : memref<256x128xf32, #tpu.memory_space<vmem>>, vector<1x16xf32>,
      %get3A_538 = vector.shape_cast %get3A_537 : vector<1x16xf32> to vector<16xf32>
      %get3A_539 = arith.index_cast %scan3A_445 : i32 to index
      %get3A_540 = arith.constant 80 : index
      %get3A_541 = tpu.vector_load %arg10[%get3A_539, %get3A_540] {strides = array<i32>} : memref<256x128xf32, #tpu.memory_space<vmem>>, vector<1x16xf32>,
      %get3A_542 = vector.shape_cast %get3A_541 : vector<1x16xf32> to vector<16xf32>
      %mul3A_543 = arith.constant 0.0883883461 : f32
      %mul3A_544 = vector.broadcast %mul3A_543 : f32 to vector<16xf32>
      %mul3A_545 = arith.mulf %get3A_542, %mul3A_544 : vector<16xf32>
      %add3A_546 = arith.addf %get3A_538, %mul3A_545 : vector<16xf32>
      %add3A_547 = arith.addf %add3A_546, %mul3A_247 : vector<16xf32>
      %swap3A_548 = arith.index_cast %scan3A_445 : i32 to index
      %swap3A_549 = arith.constant 80 : index
      %swap3A_550 = tpu.vector_load %arg9[%swap3A_548, %swap3A_549] {strides = array<i32>} : memref<256x128xf32, #tpu.memory_space<vmem>>, vector<1x16xf32>,
      %swap3A_551 = vector.shape_cast %swap3A_550 : vector<1x16xf32> to vector<16xf32>
      %swap3A_552 = vector.shape_cast %add3A_547 : vector<16xf32> to vector<1x16xf32>
      tpu.vector_store %arg9[%swap3A_548, %swap3A_549], %swap3A_552 {strides = array<i32>} : memref<256x128xf32, #tpu.memory_space<vmem>>, vector<1x16xf32>,
      %get3A_553 = arith.index_cast %scan3A_445 : i32 to index
      %get3A_554 = arith.constant 96 : index
      %get3A_555 = tpu.vector_load %arg9[%get3A_553, %get3A_554] {strides = array<i32>} : memref<256x128xf32, #tpu.memory_space<vmem>>, vector<1x16xf32>,
      %get3A_556 = vector.shape_cast %get3A_555 : vector<1x16xf32> to vector<16xf32>
      %get3A_557 = arith.index_cast %scan3A_445 : i32 to index
      %get3A_558 = arith.constant 96 : index
      %get3A_559 = tpu.vector_load %arg10[%get3A_557, %get3A_558] {strides = array<i32>} : memref<256x128xf32, #tpu.memory_space<vmem>>, vector<1x16xf32>,
      %get3A_560 = vector.shape_cast %get3A_559 : vector<1x16xf32> to vector<16xf32>
      %mul3A_561 = arith.constant 0.0883883461 : f32
      %mul3A_562 = vector.broadcast %mul3A_561 : f32 to vector<16xf32>
      %mul3A_563 = arith.mulf %get3A_560, %mul3A_562 : vector<16xf32>
      %add3A_564 = arith.addf %get3A_556, %mul3A_563 : vector<16xf32>
      %add3A_565 = arith.addf %add3A_564, %mul3A_254 : vector<16xf32>
      %swap3A_566 = arith.index_cast %scan3A_445 : i32 to index
      %swap3A_567 = arith.constant 96 : index
      %swap3A_568 = tpu.vector_load %arg9[%swap3A_566, %swap3A_567] {strides = array<i32>} : memref<256x128xf32, #tpu.memory_space<vmem>>, vector<1x16xf32>,
      %swap3A_569 = vector.shape_cast %swap3A_568 : vector<1x16xf32> to vector<16xf32>
      %swap3A_570 = vector.shape_cast %add3A_565 : vector<16xf32> to vector<1x16xf32>
      tpu.vector_store %arg9[%swap3A_566, %swap3A_567], %swap3A_570 {strides = array<i32>} : memref<256x128xf32, #tpu.memory_space<vmem>>, vector<1x16xf32>,
      %get3A_571 = arith.index_cast %scan3A_445 : i32 to index
      %get3A_572 = arith.constant 112 : index
      %get3A_573 = tpu.vector_load %arg9[%get3A_571, %get3A_572] {strides = array<i32>} : memref<256x128xf32, #tpu.memory_space<vmem>>, vector<1x16xf32>,
      %get3A_574 = vector.shape_cast %get3A_573 : vector<1x16xf32> to vector<16xf32>
      %get3A_575 = arith.index_cast %scan3A_445 : i32 to index
      %get3A_576 = arith.constant 112 : index
      %get3A_577 = tpu.vector_load %arg10[%get3A_575, %get3A_576] {strides = array<i32>} : memref<256x128xf32, #tpu.memory_space<vmem>>, vector<1x16xf32>,
      %get3A_578 = vector.shape_cast %get3A_577 : vector<1x16xf32> to vector<16xf32>
      %mul3A_579 = arith.constant 0.0883883461 : f32
      %mul3A_580 = vector.broadcast %mul3A_579 : f32 to vector<16xf32>
      %mul3A_581 = arith.mulf %get3A_578, %mul3A_580 : vector<16xf32>
      %add3A_582 = arith.addf %get3A_574, %mul3A_581 : vector<16xf32>
      %add3A_583 = arith.addf %add3A_582, %mul3A_261 : vector<16xf32>
      %swap3A_584 = arith.index_cast %scan3A_445 : i32 to index
      %swap3A_585 = arith.constant 112 : index
      %swap3A_586 = tpu.vector_load %arg9[%swap3A_584, %swap3A_585] {strides = array<i32>} : memref<256x128xf32, #tpu.memory_space<vmem>>, vector<1x16xf32>,
      %swap3A_587 = vector.shape_cast %swap3A_586 : vector<1x16xf32> to vector<16xf32>
      %swap3A_588 = vector.shape_cast %add3A_583 : vector<16xf32> to vector<1x16xf32>
      tpu.vector_store %arg9[%swap3A_584, %swap3A_585], %swap3A_588 {strides = array<i32>} : memref<256x128xf32, #tpu.memory_space<vmem>>, vector<1x16xf32>,
    }
    %scan3A_392 = arith.constant 64 : i32
    %add3A_393 = arith.constant 192 : i32
    %add3A_394 = arith.addi %mul3A_2, %add3A_393 : i32
    %dma_start3A_395 = arith.constant 192 : i32
    %dma_start3A_396 = arith.constant 0 : i32
    %dma_start3A_397 = tpu.memref_slice %arg9[%dma_start3A_395, %dma_start3A_396] : memref<256x128xf32, #tpu.memory_space<vmem>> -> memref<64x128xf32, #tpu.memory_space<vmem>>
    %dma_start3A_398 = arith.constant 0 : i32
    %dma_start3A_399 = tpu.memref_slice %arg7[%add3A_394, %dma_start3A_398] : memref<8192x128xf32, #tpu.memory_space<hbm>> -> memref<64x128xf32, #tpu.memory_space<hbm>>
    %dma_start3A_400 = arith.constant 0 : i32
    %dma_start3A_401 = tpu.memref_slice %arg7[%add3A_394, %dma_start3A_400] : memref<8192x128xf32, #tpu.memory_space<hbm>> -> memref<64x128xf32, #tpu.memory_space<hbm>>
    %dma_start3A_402 = arith.constant 192 : i32
    %dma_start3A_403 = arith.constant 0 : i32
    %dma_start3A_404 = tpu.memref_slice %arg9[%dma_start3A_402, %dma_start3A_403] : memref<256x128xf32, #tpu.memory_space<vmem>> -> memref<64x128xf32, #tpu.memory_space<vmem>>
    tpu.enqueue_dma source(%dma_start3A_404 : memref<64x128xf32, #tpu.memory_space<vmem>>) target(%dma_start3A_401 : memref<64x128xf32, #tpu.memory_space<hbm>>) target_semaphore(%arg24 : memref<!tpu.dma_semaphore, #tpu.memory_space<semaphore_mem>>)
    %dma_wait3A_405 = arith.constant 0 : i32
    %dma_wait3A_406 = arith.constant 0 : i32
    %dma_wait3A_407 = tpu.memref_slice %arg9[%dma_wait3A_405, %dma_wait3A_406] : memref<256x128xf32, #tpu.memory_space<vmem>> -> memref<64x128xf32, #tpu.memory_space<vmem>>
    %dma_wait3A_408 = arith.constant 0 : i32
    %dma_wait3A_409 = tpu.memref_slice %arg7[%add3A_286, %dma_wait3A_408] : memref<8192x128xf32, #tpu.memory_space<hbm>> -> memref<64x128xf32, #tpu.memory_space<hbm>>
    %dma_wait3A_410 = arith.constant 0 : i32
    %dma_wait3A_411 = tpu.memref_slice %arg7[%add3A_286, %dma_wait3A_410] : memref<8192x128xf32, #tpu.memory_space<hbm>> -> memref<64x128xf32, #tpu.memory_space<hbm>>
    %dma_wait3A_412 = arith.constant 0 : i32
    %dma_wait3A_413 = arith.constant 0 : i32
    %dma_wait3A_414 = tpu.memref_slice %arg9[%dma_wait3A_412, %dma_wait3A_413] : memref<256x128xf32, #tpu.memory_space<vmem>> -> memref<64x128xf32, #tpu.memory_space<vmem>>
    tpu.wait_dma2 semaphore(%arg24 : memref<!tpu.dma_semaphore, #tpu.memory_space<semaphore_mem>>) src(%dma_wait3A_414 : memref<64x128xf32, #tpu.memory_space<vmem>>) dst(%dma_wait3A_411 : memref<64x128xf32, #tpu.memory_space<hbm>>)
    %dma_wait3A_415 = arith.constant 64 : i32
    %dma_wait3A_416 = arith.constant 0 : i32
    %dma_wait3A_417 = tpu.memref_slice %arg9[%dma_wait3A_415, %dma_wait3A_416] : memref<256x128xf32, #tpu.memory_space<vmem>> -> memref<64x128xf32, #tpu.memory_space<vmem>>
    %dma_wait3A_418 = arith.constant 0 : i32
    %dma_wait3A_419 = tpu.memref_slice %arg7[%add3A_322, %dma_wait3A_418] : memref<8192x128xf32, #tpu.memory_space<hbm>> -> memref<64x128xf32, #tpu.memory_space<hbm>>
    %dma_wait3A_420 = arith.constant 0 : i32
    %dma_wait3A_421 = tpu.memref_slice %arg7[%add3A_322, %dma_wait3A_420] : memref<8192x128xf32, #tpu.memory_space<hbm>> -> memref<64x128xf32, #tpu.memory_space<hbm>>
    %dma_wait3A_422 = arith.constant 64 : i32
    %dma_wait3A_423 = arith.constant 0 : i32
    %dma_wait3A_424 = tpu.memref_slice %arg9[%dma_wait3A_422, %dma_wait3A_423] : memref<256x128xf32, #tpu.memory_space<vmem>> -> memref<64x128xf32, #tpu.memory_space<vmem>>
    tpu.wait_dma2 semaphore(%arg24 : memref<!tpu.dma_semaphore, #tpu.memory_space<semaphore_mem>>) src(%dma_wait3A_424 : memref<64x128xf32, #tpu.memory_space<vmem>>) dst(%dma_wait3A_421 : memref<64x128xf32, #tpu.memory_space<hbm>>)
    %dma_wait3A_425 = arith.constant 128 : i32
    %dma_wait3A_426 = arith.constant 0 : i32
    %dma_wait3A_427 = tpu.memref_slice %arg9[%dma_wait3A_425, %dma_wait3A_426] : memref<256x128xf32, #tpu.memory_space<vmem>> -> memref<64x128xf32, #tpu.memory_space<vmem>>
    %dma_wait3A_428 = arith.constant 0 : i32
    %dma_wait3A_429 = tpu.memref_slice %arg7[%add3A_358, %dma_wait3A_428] : memref<8192x128xf32, #tpu.memory_space<hbm>> -> memref<64x128xf32, #tpu.memory_space<hbm>>
    %dma_wait3A_430 = arith.constant 0 : i32
    %dma_wait3A_431 = tpu.memref_slice %arg7[%add3A_358, %dma_wait3A_430] : memref<8192x128xf32, #tpu.memory_space<hbm>> -> memref<64x128xf32, #tpu.memory_space<hbm>>
    %dma_wait3A_432 = arith.constant 128 : i32
    %dma_wait3A_433 = arith.constant 0 : i32
    %dma_wait3A_434 = tpu.memref_slice %arg9[%dma_wait3A_432, %dma_wait3A_433] : memref<256x128xf32, #tpu.memory_space<vmem>> -> memref<64x128xf32, #tpu.memory_space<vmem>>
    tpu.wait_dma2 semaphore(%arg24 : memref<!tpu.dma_semaphore, #tpu.memory_space<semaphore_mem>>) src(%dma_wait3A_434 : memref<64x128xf32, #tpu.memory_space<vmem>>) dst(%dma_wait3A_431 : memref<64x128xf32, #tpu.memory_space<hbm>>)
    %dma_wait3A_435 = arith.constant 192 : i32
    %dma_wait3A_436 = arith.constant 0 : i32
    %dma_wait3A_437 = tpu.memref_slice %arg9[%dma_wait3A_435, %dma_wait3A_436] : memref<256x128xf32, #tpu.memory_space<vmem>> -> memref<64x128xf32, #tpu.memory_space<vmem>>
    %dma_wait3A_438 = arith.constant 0 : i32
    %dma_wait3A_439 = tpu.memref_slice %arg7[%add3A_394, %dma_wait3A_438] : memref<8192x128xf32, #tpu.memory_space<hbm>> -> memref<64x128xf32, #tpu.memory_space<hbm>>
    %dma_wait3A_440 = arith.constant 0 : i32
    %dma_wait3A_441 = tpu.memref_slice %arg7[%add3A_394, %dma_wait3A_440] : memref<8192x128xf32, #tpu.memory_space<hbm>> -> memref<64x128xf32, #tpu.memory_space<hbm>>
    %dma_wait3A_442 = arith.constant 192 : i32
    %dma_wait3A_443 = arith.constant 0 : i32
    %dma_wait3A_444 = tpu.memref_slice %arg9[%dma_wait3A_442, %dma_wait3A_443] : memref<256x128xf32, #tpu.memory_space<vmem>> -> memref<64x128xf32, #tpu.memory_space<vmem>>
    tpu.wait_dma2 semaphore(%arg24 : memref<!tpu.dma_semaphore, #tpu.memory_space<semaphore_mem>>) src(%dma_wait3A_444 : memref<64x128xf32, #tpu.memory_space<vmem>>) dst(%dma_wait3A_441 : memref<64x128xf32, #tpu.memory_space<hbm>>)
    return
  }
}

</mosaic_0001>

<sc_bundles>
// kernel: kernel.3.cloned.1.call-start
scs
__scs_entry_jumppad:
0x0: {  	(pc) =	sbr.rel $0x88, $3  }
0x1: {  	(tag) =	ssettag $0x0;
	lr =	simm.s32 $0x1  }
0x2: {  	[smem:$0x3F9C] =	sst lr;
	_ =	strace $0xD0000000  }
0x3: {  	_ = 	snop  }
0x4: {  	_ = 	snop  }
0x5: {  	_ = 	snop  }
0x6: {  	_ = 	snop  }
0x7: {  	_ = 	snop  }
__scs_overlays_trampoline_lowered:
0x8: {  	[smem:$0x3FAB] =	sst s0  }
0x9: {  	[smem:$0x3FAC] =	sst s1  }
0xa: {  	[smem:$0x3FAD] =	sst s2  }
0xb: {  	[smem:$0x3FAE] =	sst s3  }
0xc: {  	[smem:$0x3FAF] =	sst s4  }
0xd: {  	[smem:$0x3FB0] =	sst s5  }
0xe: {  	[smem:$0x3FB1] =	sst s6  }
0xf: {  	[smem:$0x3FB2] =	sst s7  }
0x10: {  	[smem:$0x3FB3] =	sst s8  }
0x11: {  	[smem:$0x3FB4] =	sst s9;
	s0 =	simm.s32 @!p0 $0x0  }
0x12: {  	s1 =	sld [smem:$0x3F9A];
	s0 =	simm.s32 @p0 $0x1  }
0x13: {  	[smem:$0x3FB5] =	sst s0;
	s0 =	simm.s32 @!p1 $0x0  }
0x14: {  	s2 =	sld [smem:$0x3F99];
	s0 =	simm.s32 @p1 $0x1  }
0x15: {  	[smem:$0x3FB6] =	sst s0;
	s0 =	simm.s32 @!p2 $0x0  }
0x16: {  	s3 =	sld [smem:$0x3FDB];
	s0 =	simm.s32 @p2 $0x1  }
0x17: {  	s4 =	simm.s32 $0x1BF5;
	[smem:$0x3FB8] =	sst s0  }
0x18: {  	s0 =	sld [smem:$0x3F9B];
	_ =	swait.ge [sflag:s4], $0x0  }
0x19: {  	s7 =	sld [smem:$0x3F9C]  }
0x1a: {  	s8 =	sadd.s32 $0xFFFFE003, lr  }
0x1b: {  	s9 =	sadd.s32 $0xFFFFFEF7, lr;
	s5 =	simm.s32 $0xFFFFFFFF;
	p2 =	slt.u32 s8, $0xFFFFF086  }
0x1c: {  	p1 =	slt.u32 s9, $0xF7A;
	s5 =	simm.s32 @!p2 $0x0  }
0x1d: {  	s5 =	simm.s32 @p1 $0x1;
	p0 =	seq.s32 s7, s2  }
0x1e: {  	s7 =	smul.u32 @!p0 $0xF7A, s2;
	p2 =	seq.s32 @!p0 s5, $0x0  }
0x1f: {  	s9 =	smul.u32 $0xF7A, s1;
	s8 =	simm.s32 @!p0 $0x1BF5;
	p2 =	por !p2, p0  }
0x20: {  	[sflag:s8] =	ssyncset.s32 @!p0 $0xFFFFF086;
	s6 =	sadd.s32 @!p0 s3, s7;
	s7 =	simm.s32 @!p0 $0x108  }
0x21: {  	s3 =	sadd.s32 s3, s9;
	s6 =	sadd.s32 @!p0 $0x88, s6;
	s7 =	simm.s32 @p2 $0x1082  }
0x22: {  	[simem:s7], [sflag:s8] =	dma.local @!p0 [hbm:s6], $0xF7A  }
0x23: {  	s9 =	sor.u32 $0xD0000000, s2;
	s6 =	simm.s32 $0x108;
	_ =	swait.ge @!p0 [sflag:s8], $0x0  }
0x24: {  	s3 =	sadd.s32 $0x88, s3;
	s6 =	simm.s32 @!p1 $0x1082;
	[sflag:s4] =	ssyncset.s32 $0xFFFFF086  }
0x25: {  	[simem:s6], [sflag:s4] =	dma.local [hbm:s3], $0xF7A  }
0x26: {  	[smem:$0x3F9C] =	sst s1;
	(tag) =	ssettag s2;
	_ =	strace s9  }
0x27: {  	s1 =	sld [smem:$0x3FAC]  }
0x28: {  	s2 =	sld [smem:$0x3FAD]  }
0x29: {  	s4 =	sld [smem:$0x3FAF]  }
0x2a: {  	p0 =	seq.s32 s5, $0x0;
	s5 =	sld [smem:$0x3FB0]  }
0x2b: {  	s6 =	sld [smem:$0x3FB1]  }
0x2c: {  	s7 =	sld [smem:$0x3FB2]  }
0x2d: {  	s3 =	simm.s32 $0x108;
	s8 =	sld [smem:$0x3FB3]  }
0x2e: {  	s3 =	simm.s32 @!p0 $0x1082;
	s9 =	sld [smem:$0x3FB4]  }
0x2f: {  	lr =	sadd.s32 s0, s3;
	s0 =	sld [smem:$0x3FAB]  }
0x30: {  	s3 =	sld [smem:$0x3FAE]  }
0x31: {  	[smem:$0x3FB7] =	sst s10  }
0x32: {  	s10 =	sld [smem:$0x3FB5];
	_ =	sdelay $0x3  }
0x33: {  	p0 =	seq.s32 s10, $0x1;
	s10 =	sld [smem:$0x3FB7];
	_ =	sdelay $0x3  }
0x34: {  	[smem:$0x3FB7] =	sst s10  }
0x35: {  	s10 =	sld [smem:$0x3FB6];
	_ =	sdelay $0x3  }
0x36: {  	p1 =	seq.s32 s10, $0x1;
	s10 =	sld [smem:$0x3FB7];
	_ =	sdelay $0x3  }
0x37: {  	[smem:$0x3FB7] =	sst s10  }
0x38: {  	s10 =	sld [smem:$0x3FB8]  }
0x39: {  	_ = 	snop;
	(pc) =	sbr.ind lr, $3  }
0x3a: {  	_ = 	snop  }
0x3b: {  	_ = 	snop  }
0x3c: {  	p2 =	seq.s32 s10, $0x1;
	s10 =	sld [smem:$0x3FB7]  }
0x3d: {  	_ =	shalt  }
0x3e: {  	_ =	shalt  }
0x3f: {  	_ =	shalt  }
0x40: {  	_ =	shalt  }
0x41: {  	_ =	shalt  }
0x42: {  	_ =	shalt  }
0x43: {  	_ =	shalt  }
0x44: {  	_ =	shalt  }
0x45: {  	_ =	shalt  }
0x46: {  	_ =	shalt  }
0x47: {  	_ =	shalt  }
0x48: {  	_ =	shalt  }
0x49: {  	_ =	shalt  }
0x4a: {  	_ =	shalt  }
0x4b: {  	_ =	shalt  }
0x4c: {  	_ =	shalt  }
0x4d: {  	_ =	shalt  }
0x4e: {  	_ =	shalt  }
0x4f: {  	_ =	shalt  }
0x50: {  	_ =	shalt  }
0x51: {  	_ =	shalt  }
0x52: {  	_ =	shalt  }
0x53: {  	_ =	shalt  }
0x54: {  	_ =	shalt  }
0x55: {  	_ =	shalt  }
0x56: {  	_ =	shalt  }
0x57: {  	_ =	shalt  }
0x58: {  	_ =	shalt  }
0x59: {  	_ =	shalt  }
0x5a: {  	_ =	shalt  }
0x5b: {  	_ =	shalt  }
0x5c: {  	_ =	shalt  }
0x5d: {  	_ =	shalt  }
0x5e: {  	_ =	shalt  }
0x5f: {  	_ =	shalt  }
0x60: {  	_ =	shalt  }
0x61: {  	_ =	shalt  }
0x62: {  	_ =	shalt  }
0x63: {  	_ =	shalt  }
0x64: {  	_ =	shalt  }
0x65: {  	_ =	shalt  }
0x66: {  	_ =	shalt  }
0x67: {  	_ =	shalt  }
0x68: {  	_ =	shalt  }
0x69: {  	_ =	shalt  }
0x6a: {  	_ =	shalt  }
0x6b: {  	_ =	shalt  }
0x6c: {  	_ =	shalt  }
0x6d: {  	_ =	shalt  }
0x6e: {  	_ =	shalt  }
0x6f: {  	_ =	shalt  }
0x70: {  	_ =	shalt  }
0x71: {  	_ =	shalt  }
0x72: {  	_ =	shalt  }
0x73: {  	_ =	shalt  }
0x74: {  	_ =	shalt  }
0x75: {  	_ =	shalt  }
0x76: {  	_ =	shalt  }
0x77: {  	_ =	shalt  }
0x78: {  	_ =	shalt  }
0x79: {  	_ =	shalt  }
0x7a: {  	_ =	shalt  }
0x7b: {  	_ =	shalt  }
0x7c: {  	_ =	shalt  }
0x7d: {  	_ =	shalt  }
0x7e: {  	_ =	shalt  }
0x7f: {  	_ =	shalt  }
0x80: {  	_ =	shalt  }
0x81: {  	_ =	shalt  }
0x82: {  	_ =	shalt  }
0x83: {  	_ =	shalt  }
0x84: {  	_ =	shalt  }
0x85: {  	_ =	shalt  }
0x86: {  	_ =	shalt  }
0x87: {  	_ =	shalt  }
.Lfunc_end0:
.L_simem_size_0:
called_computation_lowered:
.L_overlay_start_0:
0x88: {  	s2 =	sld [smem:$0x3FD9]  }
0x89: {  	s3 =	sld [smem:$0x3FFE];
	_ =	sdelay $0x1  }
0x8a: {  	s1 =	srdreg.scid  }
0x8b: {  	s0 =	sand.u32 $0x1, s1  }
0x8c: {  	s17 =	sshll.u32 s0, $0xA;
	s2 =	sadd.s32 s3, s2  }
0x8d: {  	s2 =	sadd.s32 s2, s17  }
0x8e: {  	[smem:$0x3FC3] =	sst s2  }
0x8f: {  	_ = 	snop  }
0x90: {  	s2 =	sld [smem:$0x3FC9]  }
0x91: {  	s18 =	sld [smem:$0x3FC7]  }
0x92: {  	s4 =	sld [smem:$0x3FC6]  }
0x93: {  	s5 =	sld [smem:$0x3FC5]  }
0x94: {  	s6 =	sld [smem:$0x3FD0];
	(tm) =	ssettm $0x1  }
0x95: {  	s7 =	sld [smem:$0x3FFB];
	_ =	sdelay $0x3  }
0x96: {  	_ =	strace s7  }
0x97: {  	s7 =	sld [smem:$0x3FFC];
	_ =	sdelay $0x3  }
0x98: {  	_ =	strace s7  }
0x99: {  	s7 =	sld [smem:$0x3FFD];
	_ =	sdelay $0x3  }
0x9a: {  	_ =	strace s7  }
0x9b: {  	_ =	strace $0x8FFFFFFF  }
0x9c: {  	s19 =	sld [smem:$0x3FDB];
	_ =	sdelay $0x1  }
0x9d: {  	s8 =	simm.s32 $_scs_section_size  }
0x9e: {  	s9 =	simm.s32 $_size__tile_overlayer_lowered;
	s10 =	simm.s32 $_tile_overlayer_lowered  }
0x9f: {  	s22 =	simm.s32 $0x1BFF;
	s21 =	sshll.u32 s10, $0x1;
	s7 =	sadd.s32 s8, s19  }
0xa0: {  	s11 =	simm.s32 $0x0;
	s20 =	sshll.u32 s9, $0x1;
	s9 =	sadd.s32 s21, s7  }
0xa1: {  	[timem:s11], [sflag:s22] =	dma.local [hbm:s9], s20  }
0xa2: {  	_ =	swait.ge [sflag:s22], s20  }
0xa3: {  	s8 =	ssub.s32 $0x0, s20;
	[sflag:s22] =	ssyncset.done $0x0  }
0xa4: {  	[sflag:s22] =	ssyncadd.s32 s8;
	_ =	sdelay $0x1  }
0xa5: {  	s23 =	simm.s32 $0x1B8B  }
0xa6: {  	_ =	swait.ge [sflag:s23], $0x1  }
0xa7: {  	[sflag:s23] =	ssyncset.done $0x0  }
0xa8: {  	s25 =	simm.s32 $0x1B8E;
	s24 =	sld [smem:$0x3FFE];
	[sflag:s23] =	ssyncadd.s32 $0xFFFFFFFF  }
0xa9: {  	s26 =	simm.s32 $execute0_lowered;
	[smem:$0x3FD2] =	sst s25  }
0xaa: {  	s9 =	sshll.u32 s26, $0x1;
	_ =	strace $0x80000046;
	[dreg:$0x1] =	wrdreg $0xFFFFFFFF  }
0xab: {  	s28 =	simm.s32 $_size_execute0_lowered;
	s7 =	sadd.s32 s7, s9;
	[dreg:$0x0] =	wrdreg $0x0  }
0xac: {  	s9 =	sshll.u32 s28, $0x1;
	[dreg:$0x2] =	wrdreg s7  }
0xad: {  	[dreg:$0x3] =	wrdreg s9  }
0xae: {  	[dreg:$0x4] =	wrdreg $0xC0  }
0xaf: {  	_ =	task [dreg:s11], $0x5FFFF  }
0xb0: {  	[dreg:$0x1] =	wrdreg $0xFFFFFFFF  }
0xb1: {  	[dreg:$0x0] =	wrdreg $0x60  }
0xb2: {  	[dreg:$0x2] =	wrdreg s2  }
0xb3: {  	[dreg:$0x3] =	wrdreg s18  }
0xb4: {  	[dreg:$0x4] =	wrdreg s4  }
0xb5: {  	[dreg:$0x5] =	wrdreg s24  }
0xb6: {  	[dreg:$0x6] =	wrdreg s5  }
0xb7: {  	[dreg:$0x7] =	wrdreg s6  }
0xb8: {  	[dreg:$0x8] =	wrdreg $0x102000  }
0xb9: {  	[dreg:$0x9] =	wrdreg $0x9  }
0xba: {  	_ =	task.clear_ibuf [dreg:s11], $0xAFFFF;
	_ =	strace $0x90000046  }
0xbb: {  	s29 =	simm.s32 $0x9;
	_ =	strace $0x80000048  }
0xbc: {  	_ =	swait.ge [sflag:s29], $0x1  }
0xbd: {  	[sflag:s29] =	ssyncadd.s32 $0xFFFFFFFF  }
0xbe: {  	_ =	strace $0x90000048  }
0xbf: {  	_ =	sfence  }
0xc0: {  	s30 =	sld [smem:$0x0];
	_ =	sdelay $0x2  }
0xc1: {  	s31 =	sshll.u32 s1, $0xD;
	s1 =	sshrl.u32 s1, $0x2  }
0xc2: {  	s3 =	sand.u32 $0x4000, s31;
	s1 =	sadd.s32 s1, s30  }
0xc3: {  	s0 =	sor.u32 s3, s0;
	s1 =	sshll.u32 s1, $0x11  }
0xc4: {  	s0 =	sor.u32 s1, s0  }
0xc5: {  	s0 =	sadd.s32 $0x8F2B, s0  }
0xc6: {  	[sflag:s0] =	ssyncadd.remote.s32 $0x1  }
0xc7: {  	_ =	sfence.sel $0xFFFF  }
0xc8: {  	[dreg:$0x0] =	wrdreg $0xFFFFFFFF;
	(pc) =	sbr.abs _section_cstart, $3  }
0xc9: {  	[dreg:$0x1] =	wrdreg $0xFFFFFFFF  }
0xca: {  	_ =	task.clear_ibuf [dreg:s11], $0x2FFFF;
	_ =	strace $0x9FFFFFFF  }
0xcb: {  	(tm) =	ssettm $0x7FFFFFFF  }
tec
execute0_lowered:
.L_overlay_start_1:
0x0: {  	(tag) =	ssettag $0x1  }
0x1: {  	s0 =	rddreg [dreg:$0x0]  }
0x2: {  	s1 =	rddreg [dreg:$0x1]  }
0x3: {  	s2 =	rddreg [dreg:$0x2]  }
0x4: {  	s3 =	rddreg [dreg:$0x3]  }
0x5: {  	s5 =	rddreg [dreg:$0x5]  }
0x6: {  	s6 =	rddreg [dreg:$0x6];
	s4 =	simm.s32 $0x0  }
0x7: {  	s13 =	stileid.u32;
	s7 =	srdreg.scid;
	s19 =	simm.s32 $0xC  }
0x8: {  	s20 =	simm.s32 $0x40;
	s21 =	simm.s32 $0x100;
	s22 =	simm.s32 $0x2100  }
0x9: {  	s30 =	simm.s32 $0xA;
	s28 =	simm.s32 $0x1;
	s29 =	simm.s32 $0x5  }
0xa: {  	s31 =	simm.s32 $0x2;
	[smem:$0x7FF] =	sst s4;
	s7 =	sand.u32 $0x1, s7  }
0xb: {  	s8 =	sshll.u32 s13, $0x1;
	s9 =	sshll.u32 s13, $0x2;
	s10 =	sshll.u32 s13, $0x5  }
0xc: {  	s14 =	sshrl.u32 s13, $0x2;
	s16 =	sshll.u32 s13, $0xD;
	_ =	strace $0x80000047  }
0xd: {  	s8 =	sor.u32 s7, s8;
	s9 =	sand.u32 $0x30, s9;
	s12 =	ssub.s32 $0x2, s7  }
0xe: {  	s7 =	sshll.u32 s7, $0xC;
	s17 =	sshll.u32 s14, $0xD;
	s11 =	sshll.u32 s8, $0xA  }
0xf: {  	s3 =	sadd.s32 s9, s3;
	s2 =	sadd.s32 s2, s7;
	s24 =	sshll.u32 s8, $0xC  }
0x10: {  	s7 =	simm.s32 $0xB;
	s8 =	simm.s32 $0x0;
	s10 =	sor.u32 s10, s11  }
0x11: {  	s11 =	sshrl.u32 s12, $0x1;
	s23 =	sadd.s32 $0x400, s3;
	s3 =	simm.s32 $0x4  }
0x12: {  	s10 =	sand.u32 $0x1D80, s10;
	s9 =	ssub.s32 s12, s11;
	s12 =	sshll.u32 s13, $0xF  }
0x13: {  	[dreg:$0xa] =	wrdreg s23;
	s11 =	sadd.s32 s5, s24;
	s23 =	simm.s32 $0x4100  }
0x14: {  	s24 =	simm.s32 $0x9;
	s5 =	simm.s32 $0x8;
	s10 =	sshrl.u32 s10, $0x3  }
0x15: {  	s15 =	sand.u32 $0x18000, s12;
	s13 =	sadd.s32 $0x400, s11;
	s0 =	sadd.s32 s0, s10  }
0x16: {  	s6 =	sadd.s32 s15, s6;
	s10 =	sand.u32 $0x6000, s16;
	s15 =	sadd.s32 $0xC00, s11  }
0x17: {  	s16 =	smax.u32 s9, $0x1;
	[dreg:$0x8] =	wrdreg s0;
	s18 =	sadd.s32 s17, s6  }
0x18: {  	s0 =	sshll.u32 s14, $0xA;
	s2 =	sadd.s32 s10, s2;
	s25 =	sadd.s32 $0x2000, s6  }
0x19: {  	s26 =	sadd.s32 $0x4000, s6;
	s12 =	sadd.s32 $0x6000, s6;
	[dreg:$0xb] =	wrdreg s25  }
0x1a: {  	s14 =	sadd.s32 $0x800, s11;
	s0 =	sadd.s32 s0, s2;
	[dreg:$0xc] =	wrdreg s26  }
0x1b: {  	s25 =	sshrl.u32 s18, $0x3;
	s26 =	simm.s32 $0x6100;
	s2 =	simm.s32 $0x3  }
0x1c: {  	s18 =	simm.s32 $0x7;
	[dreg:$0x9] =	wrdreg s0;
	s0 =	simm.s32 $0x6  }
.LBB2_1:
0x1d: {  	s9 =	rddreg [dreg:$0x8];
	s10 =	simm.s32 $0x80;
	s17 =	simm.s32 $0x200  }
0x1e: {  	[tilespmem:s4], [sflag:$0xC] =	stream.strided.gather [hbm4b:s9+s10], $0x100, s17, s10, $0x38;
	[tilespmem:$0x12200] =	vst v63  }
0x1f: {  	_ =	swait.ge [sflag:s19], $0x100  }
0x20: {  	[sflag:s19] =	ssyncset.done $0x0  }
0x21: {  	[sflag:s19] =	ssyncadd.s32 $0xFFFFFF00  }
0x22: {  	[tilespmem:s21], [sflag:$0x1] =	stream.indirect.gather [hbm4b:s1+s20], $0x80, s4, s20, $0xb8;
	[tilespmem:$0x12200] =	vst v63  }
0x23: {  	_ = 	snop  }
0x24: {  	[tilespmem:s22], [sflag:$0x2] =	stream.indirect.gather [hbm4b:s1+s20], $0x80, s20, s20, $0xb8;
	[tilespmem:$0x12200] =	vst v63  }
0x25: {  	_ = 	snop  }
0x26: {  	[tilespmem:s23], [sflag:$0x3] =	stream.indirect.gather [hbm4b:s1+s20], $0x80, s10, s20, $0xb8;
	[tilespmem:$0x12200] =	vst v63  }
0x27: {  	s10 =	stileid.u32  }
0x28: {  	s17 =	simm.s32 $0xC0;
	s9 =	sshll.u32 s10, $0x6  }
0x29: {  	[tilespmem:s26], [sflag:$0x4] =	stream.indirect.gather [hbm4b:s1+s20], $0x80, s17, s20, $0xb8;
	[tilespmem:$0x12200] =	vst v63  }
0x2a: {  	s9 =	sor.u32 $0x1C0A, s9;
	s17 =	rddreg [dreg:$0x9]  }
0x2b: {  	[spmem:s25], [sflag:s9] =	dma.local [hbm:s17], $0x400  }
0x2c: {  	s17 =	simm.s32 $0x10100;
	s9 =	rddreg [dreg:$0xa]  }
0x2d: {  	[tilespmem:s17], [sflag:$0x9] =	stream.linear.gather [hbm4b:s9+s4], $0x80, $0x38;
	[tilespmem:$0x12200] =	vst v63  }
0x2e: {  	s10 =	rddreg [dreg:$0x4];
	s17 =	simm.s32 $0x10180  }
0x2f: {  	[tilespmem:s17], [sflag:$0x9] =	stream.linear.gather [hbm4b:s10+s4], $0x80, $0x38;
	[tilespmem:$0x12200] =	vst v63  }
0x30: {  	_ =	swait.ge [sflag:s30], $0x400  }
0x31: {  	[sflag:s30] =	ssyncset.done $0x0  }
0x32: {  	[sflag:s30] =	ssyncadd.s32 $0xFFFFFC00  }
0x33: {  	s17 =	simm.s32 $0x8100;
	[bflag:$0x0] =	sbarrier.arrive $0xFFFF  }
0x34: {  	[tilespmem:s17], [sflag:$0x5] =	stream.linear.gather [spmem:s6], $0x2000, $0x38;
	[tilespmem:$0x12200] =	vst v63  }
0x35: {  	s10 =	rddreg [dreg:$0xb];
	s17 =	simm.s32 $0xA100  }
0x36: {  	[tilespmem:s17], [sflag:$0x6] =	stream.linear.gather [spmem:s10], $0x2000, $0x38;
	[tilespmem:$0x12200] =	vst v63  }
0x37: {  	s10 =	rddreg [dreg:$0xc];
	s17 =	simm.s32 $0xC100  }
0x38: {  	[tilespmem:s17], [sflag:$0x7] =	stream.linear.gather [spmem:s10], $0x2000, $0x38;
	[tilespmem:$0x12200] =	vst v63  }
0x39: {  	s17 =	simm.s32 $0xE100  }
0x3a: {  	[tilespmem:s17], [sflag:$0x8] =	stream.linear.gather [spmem:s12], $0x2000, $0x38;
	[tilespmem:$0x12200] =	vst v63  }
0x3b: {  	_ =	swait.ge [sflag:s24], $0x80  }
0x3c: {  	[sflag:s24] =	ssyncset.done $0x0  }
0x3d: {  	[sflag:s24] =	ssyncadd.s32 $0xFFFFFF80  }
0x3e: {  	_ =	swait.ge [sflag:s24], $0x80  }
0x3f: {  	[sflag:s24] =	ssyncset.done $0x0  }
0x40: {  	[sflag:s24] =	ssyncadd.s32 $0xFFFFFF80  }
0x41: {  	v1 =	vld [tilespmem:$0x10100]  }
0x42: {  	v0 =	vld [tilespmem:$0x10180]  }
0x43: {  	v2 =	vld [tilespmem:$0x10190]  }
0x44: {  	v3 =	vld [tilespmem:$0x101A0]  }
0x45: {  	v4 =	vld [tilespmem:$0x101B0]  }
0x46: {  	v5 =	vld [tilespmem:$0x101C0]  }
0x47: {  	v14 =	vld [tilespmem:$0x101D0]  }
0x48: {  	v15 =	vld [tilespmem:$0x101E0]  }
0x49: {  	v16 =	vld [tilespmem:$0x101F0];
	_ =	swait.ge [sflag:s28], $0x2000  }
0x4a: {  	[sflag:s28] =	ssyncset.done $0x0  }
0x4b: {  	[sflag:s28] =	ssyncadd.s32 $0xFFFFE000  }
0x4c: {  	_ =	swait.ge [sflag:s29], $0x2000  }
0x4d: {  	[sflag:s29] =	ssyncset.done $0x0  }
0x4e: {  	s17 =	simm.s32 $0x0;
	[sflag:s29] =	ssyncadd.s32 $0xFFFFE000  }
0x4f: {  	v19 =	vld [tilespmem:s17+$0x8100]  }
0x50: {  	v21 =	vld [tilespmem:s17+$0x8110]  }
0x51: {  	v12 =	vld [tilespmem:s17+$0x8120]  }
0x52: {  	v13 =	vld [tilespmem:s17+$0x8130]  }
0x53: {  	v0 =	vmul.f32 v0, v1;
	v2 =	vmul.f32 v2, v1;
	v11 =	vld [tilespmem:s17+$0x8140]  }
0x54: {  	v3 =	vmul.f32 v3, v1;
	v8 =	vmul.f32 v4, v1;
	v10 =	vld [tilespmem:s17+$0x8150]  }
0x55: {  	v9 =	vld [tilespmem:s17+$0x8160];
	v7 =	vmul.f32 $8.838834610e-02, v0;
	v6 =	vmul.f32 $8.838834610e-02, v2  }
0x56: {  	v17 =	vld [tilespmem:s17+$0x100];
	v4 =	vmul.f32 $8.838834610e-02, v3;
	v0 =	vmul.f32 $8.838834610e-02, v8  }
0x57: {  	v18 =	vld [tilespmem:s17+$0x110];
	v2 =	vmul.f32 v5, v1;
	v3 =	vmul.f32 v14, v1  }
0x58: {  	v8 =	vld [tilespmem:s17+$0x8170];
	v14 =	vmul.f32 v15, v1;
	v1 =	vmul.f32 v16, v1  }
0x59: {  	v16 =	vld [tilespmem:s17+$0x120];
	v5 =	vmul.f32 $8.838834610e-02, v2;
	v3 =	vmul.f32 $8.838834610e-02, v3  }
0x5a: {  	v15 =	vld [tilespmem:s17+$0x130];
	v2 =	vmul.f32 $8.838834610e-02, v14;
	v20 =	vmul.f32 $8.838834610e-02, v19  }
0x5b: {  	s9 =	simm.s32 $0x200;
	v1 =	vmul.f32 $8.838834610e-02, v1;
	v14 =	vld [tilespmem:s17+$0x140];
	v19 =	vmul.f32 $8.838834610e-02, v21  }
.LBB2_2:
0x5c: {  	p0 =	sne.s32 s9, $0x7E00;
	v17 =	vadd.f32 v20, v17;
	v12 =	vmul.f32 $8.838834610e-02, v12;
	v20 =	vld [tilespmem:s17+$0x150]  }
0x5d: {  	v13 =	vmul.f32 $8.838834610e-02, v13;
	v18 =	vadd.f32 v19, v18;
	v19 =	vld [tilespmem:s17+$0x160]  }
0x5e: {  	s10 =	sshra.s32 s9, $0x2;
	v11 =	vmul.f32 $8.838834610e-02, v11;
	v17 =	vadd.f32 v17, v7;
	v12 =	vadd.f32 v12, v16;
	v16 =	vld [tilespmem:s17+$0x170]  }
0x5f: {  	v10 =	vmul.f32 $8.838834610e-02, v10;
	v21 =	vld [tilespmem:s10+$0x8100];
	v18 =	vadd.f32 v18, v6;
	v13 =	vadd.f32 v13, v15  }
0x60: {  	v9 =	vmul.f32 $8.838834610e-02, v9;
	v22 =	vld [tilespmem:s10+$0x8110];
	[tilespmem:s17+$0x100] =	vst v17;
	v15 =	vadd.f32 v12, v4;
	v11 =	vadd.f32 v11, v14  }
0x61: {  	v8 =	vmul.f32 $8.838834610e-02, v8;
	v12 =	vld [tilespmem:s10+$0x8120];
	[tilespmem:s17+$0x110] =	vst v18;
	v14 =	vadd.f32 v13, v0;
	v10 =	vadd.f32 v10, v20  }
0x62: {  	v13 =	vld [tilespmem:s10+$0x8130];
	[tilespmem:s17+$0x120] =	vst v15;
	v15 =	vadd.f32 v11, v5;
	v9 =	vadd.f32 v9, v19  }
0x63: {  	v11 =	vld [tilespmem:s10+$0x8140];
	[tilespmem:s17+$0x130] =	vst v14;
	v14 =	vadd.f32 v10, v3;
	v8 =	vadd.f32 v8, v16  }
0x64: {  	v10 =	vld [tilespmem:s10+$0x8150];
	[tilespmem:s17+$0x140] =	vst v15;
	v15 =	vadd.f32 v9, v2  }
0x65: {  	v9 =	vld [tilespmem:s10+$0x8160];
	[tilespmem:s17+$0x150] =	vst v14;
	v14 =	vadd.f32 v8, v1  }
0x66: {  	v8 =	vld [tilespmem:s10+$0x8170];
	[tilespmem:s17+$0x160] =	vst v15  }
.Ltmp0:
0x67: {  	v17 =	vld [tilespmem:s10+$0x100];
	[tilespmem:s17+$0x170] =	vst v14;
	s17 =	smov.u32 s10;
	(pc) =	sbr.rel @p0 .LBB2_2-.Ltmp0, $4  }
0x68: {  	v18 =	vld [tilespmem:s17+$0x110]  }
0x69: {  	v16 =	vld [tilespmem:s17+$0x120]  }
0x6a: {  	v20 =	vmul.f32 $8.838834610e-02, v21;
	v15 =	vld [tilespmem:s17+$0x130]  }
0x6b: {  	s9 =	sadd.s32 $0x200, s9;
	v19 =	vmul.f32 $8.838834610e-02, v22;
	v14 =	vld [tilespmem:s17+$0x140]  }
0x6c: {  	v17 =	vadd.f32 v20, v17;
	v12 =	vmul.f32 $8.838834610e-02, v12;
	v20 =	vld [tilespmem:s17+$0x150]  }
0x6d: {  	v13 =	vmul.f32 $8.838834610e-02, v13;
	v18 =	vadd.f32 v19, v18;
	v19 =	vld [tilespmem:s17+$0x160]  }
0x6e: {  	v11 =	vmul.f32 $8.838834610e-02, v11;
	v17 =	vadd.f32 v17, v7;
	v12 =	vadd.f32 v12, v16;
	v16 =	vld [tilespmem:s17+$0x170]  }
0x6f: {  	v10 =	vmul.f32 $8.838834610e-02, v10;
	v18 =	vadd.f32 v18, v6;
	v13 =	vadd.f32 v13, v15  }
0x70: {  	v9 =	vmul.f32 $8.838834610e-02, v9;
	[tilespmem:s17+$0x100] =	vst v17;
	v12 =	vadd.f32 v12, v4;
	v11 =	vadd.f32 v11, v14  }
0x71: {  	v8 =	vmul.f32 $8.838834610e-02, v8;
	[tilespmem:s17+$0x110] =	vst v18;
	v13 =	vadd.f32 v13, v0;
	v10 =	vadd.f32 v10, v20  }
0x72: {  	[tilespmem:s17+$0x120] =	vst v12;
	v11 =	vadd.f32 v11, v5;
	v9 =	vadd.f32 v9, v19  }
0x73: {  	[tilespmem:s17+$0x130] =	vst v13;
	v10 =	vadd.f32 v10, v3;
	v8 =	vadd.f32 v8, v16  }
0x74: {  	[tilespmem:s17+$0x140] =	vst v11;
	v9 =	vadd.f32 v9, v2  }
0x75: {  	[tilespmem:s17+$0x150] =	vst v10;
	v8 =	vadd.f32 v8, v1  }
0x76: {  	[tilespmem:s17+$0x160] =	vst v9  }
0x77: {  	s9 =	simm.s32 $0x0;
	[tilespmem:s17+$0x170] =	vst v8  }
0x78: {  	[hbm4b:s11+s9] =	stream.linear.scatter [tilespmem:s21], [sflag:$0xB], $0x2000, $0x38;
	[tilespmem:$0x12200] =	vst v63  }
0x79: {  	_ =	swait.ge [sflag:s31], $0x2000  }
0x7a: {  	[sflag:s31] =	ssyncset.done $0x0  }
0x7b: {  	[sflag:s31] =	ssyncadd.s32 $0xFFFFE000  }
0x7c: {  	_ =	swait.ge [sflag:s0], $0x2000  }
0x7d: {  	[sflag:s0] =	ssyncset.done $0x0  }
0x7e: {  	s17 =	simm.s32 $0x0;
	[sflag:s0] =	ssyncadd.s32 $0xFFFFE000  }
0x7f: {  	v14 =	vld [tilespmem:s17+$0xA100]  }
0x80: {  	v19 =	vld [tilespmem:s17+$0xA110]  }
0x81: {  	v12 =	vld [tilespmem:s17+$0xA120]  }
0x82: {  	v13 =	vld [tilespmem:s17+$0xA130]  }
0x83: {  	v11 =	vld [tilespmem:s17+$0xA140]  }
0x84: {  	v10 =	vld [tilespmem:s17+$0xA150]  }
0x85: {  	v9 =	vld [tilespmem:s17+$0xA160]  }
0x86: {  	v8 =	vld [tilespmem:s17+$0xA170]  }
0x87: {  	v18 =	vld [tilespmem:s17+$0x2100]  }
0x88: {  	v17 =	vld [tilespmem:s17+$0x2110]  }
0x89: {  	v16 =	vld [tilespmem:s17+$0x2120]  }
0x8a: {  	v15 =	vld [tilespmem:s17+$0x2130];
	v20 =	vmul.f32 $8.838834610e-02, v14  }
0x8b: {  	s9 =	simm.s32 $0x200;
	v19 =	vmul.f32 $8.838834610e-02, v19;
	v14 =	vld [tilespmem:s17+$0x2140]  }
.LBB2_4:
0x8c: {  	p0 =	sne.s32 s9, $0x7E00;
	v18 =	vadd.f32 v20, v18;
	v12 =	vmul.f32 $8.838834610e-02, v12;
	v20 =	vld [tilespmem:s17+$0x2150]  }
0x8d: {  	v13 =	vmul.f32 $8.838834610e-02, v13;
	v17 =	vadd.f32 v19, v17;
	v19 =	vld [tilespmem:s17+$0x2160]  }
0x8e: {  	s10 =	sshra.s32 s9, $0x2;
	v11 =	vmul.f32 $8.838834610e-02, v11;
	v18 =	vadd.f32 v18, v7;
	v12 =	vadd.f32 v12, v16;
	v16 =	vld [tilespmem:s17+$0x2170]  }
0x8f: {  	v10 =	vmul.f32 $8.838834610e-02, v10;
	v21 =	vld [tilespmem:s10+$0xA100];
	v17 =	vadd.f32 v17, v6;
	v13 =	vadd.f32 v13, v15  }
0x90: {  	v9 =	vmul.f32 $8.838834610e-02, v9;
	v22 =	vld [tilespmem:s10+$0xA110];
	[tilespmem:s17+$0x2100] =	vst v18;
	v15 =	vadd.f32 v12, v4;
	v11 =	vadd.f32 v11, v14  }
0x91: {  	v8 =	vmul.f32 $8.838834610e-02, v8;
	v12 =	vld [tilespmem:s10+$0xA120];
	[tilespmem:s17+$0x2110] =	vst v17;
	v14 =	vadd.f32 v13, v0;
	v10 =	vadd.f32 v10, v20  }
0x92: {  	v13 =	vld [tilespmem:s10+$0xA130];
	[tilespmem:s17+$0x2120] =	vst v15;
	v15 =	vadd.f32 v11, v5;
	v9 =	vadd.f32 v9, v19  }
0x93: {  	v11 =	vld [tilespmem:s10+$0xA140];
	[tilespmem:s17+$0x2130] =	vst v14;
	v14 =	vadd.f32 v10, v3;
	v8 =	vadd.f32 v8, v16  }
0x94: {  	v10 =	vld [tilespmem:s10+$0xA150];
	[tilespmem:s17+$0x2140] =	vst v15;
	v15 =	vadd.f32 v9, v2  }
0x95: {  	v9 =	vld [tilespmem:s10+$0xA160];
	[tilespmem:s17+$0x2150] =	vst v14;
	v14 =	vadd.f32 v8, v1  }
0x96: {  	v8 =	vld [tilespmem:s10+$0xA170];
	[tilespmem:s17+$0x2160] =	vst v15  }
.Ltmp1:
0x97: {  	v18 =	vld [tilespmem:s10+$0x2100];
	[tilespmem:s17+$0x2170] =	vst v14;
	s17 =	smov.u32 s10;
	(pc) =	sbr.rel @p0 .LBB2_4-.Ltmp1, $4  }
0x98: {  	v17 =	vld [tilespmem:s17+$0x2110]  }
0x99: {  	v16 =	vld [tilespmem:s17+$0x2120]  }
0x9a: {  	v20 =	vmul.f32 $8.838834610e-02, v21;
	v15 =	vld [tilespmem:s17+$0x2130]  }
0x9b: {  	s9 =	sadd.s32 $0x200, s9;
	v19 =	vmul.f32 $8.838834610e-02, v22;
	v14 =	vld [tilespmem:s17+$0x2140]  }
0x9c: {  	v18 =	vadd.f32 v20, v18;
	v12 =	vmul.f32 $8.838834610e-02, v12;
	v20 =	vld [tilespmem:s17+$0x2150]  }
0x9d: {  	v13 =	vmul.f32 $8.838834610e-02, v13;
	v17 =	vadd.f32 v19, v17;
	v19 =	vld [tilespmem:s17+$0x2160]  }
0x9e: {  	v11 =	vmul.f32 $8.838834610e-02, v11;
	v18 =	vadd.f32 v18, v7;
	v12 =	vadd.f32 v12, v16;
	v16 =	vld [tilespmem:s17+$0x2170]  }
0x9f: {  	v10 =	vmul.f32 $8.838834610e-02, v10;
	v17 =	vadd.f32 v17, v6;
	v13 =	vadd.f32 v13, v15  }
0xa0: {  	v9 =	vmul.f32 $8.838834610e-02, v9;
	[tilespmem:s17+$0x2100] =	vst v18;
	v12 =	vadd.f32 v12, v4;
	v11 =	vadd.f32 v11, v14  }
0xa1: {  	v8 =	vmul.f32 $8.838834610e-02, v8;
	[tilespmem:s17+$0x2110] =	vst v17;
	v13 =	vadd.f32 v13, v0;
	v10 =	vadd.f32 v10, v20  }
0xa2: {  	[tilespmem:s17+$0x2120] =	vst v12;
	v11 =	vadd.f32 v11, v5;
	v9 =	vadd.f32 v9, v19  }
0xa3: {  	[tilespmem:s17+$0x2130] =	vst v13;
	v10 =	vadd.f32 v10, v3;
	v8 =	vadd.f32 v8, v16  }
0xa4: {  	[tilespmem:s17+$0x2140] =	vst v11;
	v9 =	vadd.f32 v9, v2  }
0xa5: {  	[tilespmem:s17+$0x2150] =	vst v10;
	v8 =	vadd.f32 v8, v1  }
0xa6: {  	[tilespmem:s17+$0x2160] =	vst v9  }
0xa7: {  	s9 =	simm.s32 $0x0;
	[tilespmem:s17+$0x2170] =	vst v8  }
0xa8: {  	[hbm4b:s13+s9] =	stream.linear.scatter [tilespmem:s22], [sflag:$0xB], $0x2000, $0x38;
	[tilespmem:$0x12200] =	vst v63  }
0xa9: {  	_ =	swait.ge [sflag:s2], $0x2000  }
0xaa: {  	[sflag:s2] =	ssyncset.done $0x0  }
0xab: {  	[sflag:s2] =	ssyncadd.s32 $0xFFFFE000  }
0xac: {  	_ =	swait.ge [sflag:s18], $0x2000  }
0xad: {  	[sflag:s18] =	ssyncset.done $0x0  }
0xae: {  	s17 =	simm.s32 $0x0;
	[sflag:s18] =	ssyncadd.s32 $0xFFFFE000  }
0xaf: {  	v14 =	vld [tilespmem:s17+$0xC100]  }
0xb0: {  	v19 =	vld [tilespmem:s17+$0xC110]  }
0xb1: {  	v12 =	vld [tilespmem:s17+$0xC120]  }
0xb2: {  	v13 =	vld [tilespmem:s17+$0xC130]  }
0xb3: {  	v11 =	vld [tilespmem:s17+$0xC140]  }
0xb4: {  	v10 =	vld [tilespmem:s17+$0xC150]  }
0xb5: {  	v9 =	vld [tilespmem:s17+$0xC160]  }
0xb6: {  	v8 =	vld [tilespmem:s17+$0xC170]  }
0xb7: {  	v18 =	vld [tilespmem:s17+$0x4100]  }
0xb8: {  	v17 =	vld [tilespmem:s17+$0x4110]  }
0xb9: {  	v16 =	vld [tilespmem:s17+$0x4120]  }
0xba: {  	v15 =	vld [tilespmem:s17+$0x4130];
	v20 =	vmul.f32 $8.838834610e-02, v14  }
0xbb: {  	s9 =	simm.s32 $0x200;
	v19 =	vmul.f32 $8.838834610e-02, v19;
	v14 =	vld [tilespmem:s17+$0x4140]  }
.LBB2_6:
0xbc: {  	p0 =	sne.s32 s9, $0x7E00;
	v18 =	vadd.f32 v20, v18;
	v12 =	vmul.f32 $8.838834610e-02, v12;
	v20 =	vld [tilespmem:s17+$0x4150]  }
0xbd: {  	v13 =	vmul.f32 $8.838834610e-02, v13;
	v17 =	vadd.f32 v19, v17;
	v19 =	vld [tilespmem:s17+$0x4160]  }
0xbe: {  	s10 =	sshra.s32 s9, $0x2;
	v11 =	vmul.f32 $8.838834610e-02, v11;
	v18 =	vadd.f32 v18, v7;
	v12 =	vadd.f32 v12, v16;
	v16 =	vld [tilespmem:s17+$0x4170]  }
0xbf: {  	v10 =	vmul.f32 $8.838834610e-02, v10;
	v21 =	vld [tilespmem:s10+$0xC100];
	v17 =	vadd.f32 v17, v6;
	v13 =	vadd.f32 v13, v15  }
0xc0: {  	v9 =	vmul.f32 $8.838834610e-02, v9;
	v22 =	vld [tilespmem:s10+$0xC110];
	[tilespmem:s17+$0x4100] =	vst v18;
	v15 =	vadd.f32 v12, v4;
	v11 =	vadd.f32 v11, v14  }
0xc1: {  	v8 =	vmul.f32 $8.838834610e-02, v8;
	v12 =	vld [tilespmem:s10+$0xC120];
	[tilespmem:s17+$0x4110] =	vst v17;
	v14 =	vadd.f32 v13, v0;
	v10 =	vadd.f32 v10, v20  }
0xc2: {  	v13 =	vld [tilespmem:s10+$0xC130];
	[tilespmem:s17+$0x4120] =	vst v15;
	v15 =	vadd.f32 v11, v5;
	v9 =	vadd.f32 v9, v19  }
0xc3: {  	v11 =	vld [tilespmem:s10+$0xC140];
	[tilespmem:s17+$0x4130] =	vst v14;
	v14 =	vadd.f32 v10, v3;
	v8 =	vadd.f32 v8, v16  }
0xc4: {  	v10 =	vld [tilespmem:s10+$0xC150];
	[tilespmem:s17+$0x4140] =	vst v15;
	v15 =	vadd.f32 v9, v2  }
0xc5: {  	v9 =	vld [tilespmem:s10+$0xC160];
	[tilespmem:s17+$0x4150] =	vst v14;
	v14 =	vadd.f32 v8, v1  }
0xc6: {  	v8 =	vld [tilespmem:s10+$0xC170];
	[tilespmem:s17+$0x4160] =	vst v15  }
.Ltmp2:
0xc7: {  	v18 =	vld [tilespmem:s10+$0x4100];
	[tilespmem:s17+$0x4170] =	vst v14;
	s17 =	smov.u32 s10;
	(pc) =	sbr.rel @p0 .LBB2_6-.Ltmp2, $4  }
0xc8: {  	v17 =	vld [tilespmem:s17+$0x4110]  }
0xc9: {  	v16 =	vld [tilespmem:s17+$0x4120]  }
0xca: {  	v20 =	vmul.f32 $8.838834610e-02, v21;
	v15 =	vld [tilespmem:s17+$0x4130]  }
0xcb: {  	s9 =	sadd.s32 $0x200, s9;
	v19 =	vmul.f32 $8.838834610e-02, v22;
	v14 =	vld [tilespmem:s17+$0x4140]  }
0xcc: {  	v18 =	vadd.f32 v20, v18;
	v12 =	vmul.f32 $8.838834610e-02, v12;
	v20 =	vld [tilespmem:s17+$0x4150]  }
0xcd: {  	v13 =	vmul.f32 $8.838834610e-02, v13;
	v17 =	vadd.f32 v19, v17;
	v19 =	vld [tilespmem:s17+$0x4160]  }
0xce: {  	v11 =	vmul.f32 $8.838834610e-02, v11;
	v18 =	vadd.f32 v18, v7;
	v12 =	vadd.f32 v12, v16;
	v16 =	vld [tilespmem:s17+$0x4170]  }
0xcf: {  	v10 =	vmul.f32 $8.838834610e-02, v10;
	v17 =	vadd.f32 v17, v6;
	v13 =	vadd.f32 v13, v15  }
0xd0: {  	v9 =	vmul.f32 $8.838834610e-02, v9;
	[tilespmem:s17+$0x4100] =	vst v18;
	v12 =	vadd.f32 v12, v4;
	v11 =	vadd.f32 v11, v14  }
0xd1: {  	v8 =	vmul.f32 $8.838834610e-02, v8;
	[tilespmem:s17+$0x4110] =	vst v17;
	v13 =	vadd.f32 v13, v0;
	v10 =	vadd.f32 v10, v20  }
0xd2: {  	[tilespmem:s17+$0x4120] =	vst v12;
	v11 =	vadd.f32 v11, v5;
	v9 =	vadd.f32 v9, v19  }
0xd3: {  	[tilespmem:s17+$0x4130] =	vst v13;
	v10 =	vadd.f32 v10, v3;
	v8 =	vadd.f32 v8, v16  }
0xd4: {  	[tilespmem:s17+$0x4140] =	vst v11;
	v9 =	vadd.f32 v9, v2  }
0xd5: {  	[tilespmem:s17+$0x4150] =	vst v10;
	v8 =	vadd.f32 v8, v1  }
0xd6: {  	[tilespmem:s17+$0x4160] =	vst v9  }
0xd7: {  	s9 =	simm.s32 $0x0;
	[tilespmem:s17+$0x4170] =	vst v8  }
0xd8: {  	[hbm4b:s14+s9] =	stream.linear.scatter [tilespmem:s23], [sflag:$0xB], $0x2000, $0x38;
	[tilespmem:$0x12200] =	vst v63  }
0xd9: {  	_ =	swait.ge [sflag:s3], $0x2000  }
0xda: {  	[sflag:s3] =	ssyncset.done $0x0  }
0xdb: {  	[sflag:s3] =	ssyncadd.s32 $0xFFFFE000  }
0xdc: {  	_ =	swait.ge [sflag:s5], $0x2000  }
0xdd: {  	[sflag:s5] =	ssyncset.done $0x0  }
0xde: {  	s17 =	simm.s32 $0x0;
	[sflag:s5] =	ssyncadd.s32 $0xFFFFE000  }
0xdf: {  	v14 =	vld [tilespmem:s17+$0xE100]  }
0xe0: {  	v19 =	vld [tilespmem:s17+$0xE110]  }
0xe1: {  	v12 =	vld [tilespmem:s17+$0xE120]  }
0xe2: {  	v13 =	vld [tilespmem:s17+$0xE130]  }
0xe3: {  	v11 =	vld [tilespmem:s17+$0xE140]  }
0xe4: {  	v10 =	vld [tilespmem:s17+$0xE150]  }
0xe5: {  	v9 =	vld [tilespmem:s17+$0xE160]  }
0xe6: {  	v8 =	vld [tilespmem:s17+$0xE170]  }
0xe7: {  	v18 =	vld [tilespmem:s17+$0x6100]  }
0xe8: {  	v17 =	vld [tilespmem:s17+$0x6110]  }
0xe9: {  	v16 =	vld [tilespmem:s17+$0x6120]  }
0xea: {  	v15 =	vld [tilespmem:s17+$0x6130];
	v20 =	vmul.f32 $8.838834610e-02, v14  }
0xeb: {  	s9 =	simm.s32 $0x200;
	v19 =	vmul.f32 $8.838834610e-02, v19;
	v14 =	vld [tilespmem:s17+$0x6140]  }
.LBB2_8:
0xec: {  	p0 =	sne.s32 s9, $0x7E00;
	v18 =	vadd.f32 v20, v18;
	v12 =	vmul.f32 $8.838834610e-02, v12;
	v20 =	vld [tilespmem:s17+$0x6150]  }
0xed: {  	v13 =	vmul.f32 $8.838834610e-02, v13;
	v17 =	vadd.f32 v19, v17;
	v19 =	vld [tilespmem:s17+$0x6160]  }
0xee: {  	s10 =	sshra.s32 s9, $0x2;
	v11 =	vmul.f32 $8.838834610e-02, v11;
	v18 =	vadd.f32 v18, v7;
	v12 =	vadd.f32 v12, v16;
	v16 =	vld [tilespmem:s17+$0x6170]  }
0xef: {  	v10 =	vmul.f32 $8.838834610e-02, v10;
	v21 =	vld [tilespmem:s10+$0xE100];
	v17 =	vadd.f32 v17, v6;
	v13 =	vadd.f32 v13, v15  }
0xf0: {  	v9 =	vmul.f32 $8.838834610e-02, v9;
	v22 =	vld [tilespmem:s10+$0xE110];
	[tilespmem:s17+$0x6100] =	vst v18;
	v15 =	vadd.f32 v12, v4;
	v11 =	vadd.f32 v11, v14  }
0xf1: {  	v8 =	vmul.f32 $8.838834610e-02, v8;
	v12 =	vld [tilespmem:s10+$0xE120];
	[tilespmem:s17+$0x6110] =	vst v17;
	v14 =	vadd.f32 v13, v0;
	v10 =	vadd.f32 v10, v20  }
0xf2: {  	v13 =	vld [tilespmem:s10+$0xE130];
	[tilespmem:s17+$0x6120] =	vst v15;
	v15 =	vadd.f32 v11, v5;
	v9 =	vadd.f32 v9, v19  }
0xf3: {  	v11 =	vld [tilespmem:s10+$0xE140];
	[tilespmem:s17+$0x6130] =	vst v14;
	v14 =	vadd.f32 v10, v3;
	v8 =	vadd.f32 v8, v16  }
0xf4: {  	v10 =	vld [tilespmem:s10+$0xE150];
	[tilespmem:s17+$0x6140] =	vst v15;
	v15 =	vadd.f32 v9, v2  }
0xf5: {  	v9 =	vld [tilespmem:s10+$0xE160];
	[tilespmem:s17+$0x6150] =	vst v14;
	v14 =	vadd.f32 v8, v1  }
0xf6: {  	v8 =	vld [tilespmem:s10+$0xE170];
	[tilespmem:s17+$0x6160] =	vst v15  }
.Ltmp3:
0xf7: {  	v18 =	vld [tilespmem:s10+$0x6100];
	[tilespmem:s17+$0x6170] =	vst v14;
	s17 =	smov.u32 s10;
	(pc) =	sbr.rel @p0 .LBB2_8-.Ltmp3, $4  }
0xf8: {  	v17 =	vld [tilespmem:s17+$0x6110]  }
0xf9: {  	v16 =	vld [tilespmem:s17+$0x6120]  }
0xfa: {  	v20 =	vmul.f32 $8.838834610e-02, v21;
	v15 =	vld [tilespmem:s17+$0x6130]  }
0xfb: {  	s9 =	sadd.s32 $0x200, s9;
	v19 =	vmul.f32 $8.838834610e-02, v22;
	v14 =	vld [tilespmem:s17+$0x6140]  }
0xfc: {  	v18 =	vadd.f32 v20, v18;
	v12 =	vmul.f32 $8.838834610e-02, v12;
	v54 =	vld [tilespmem:s17+$0x6150]  }
0xfd: {  	v13 =	vmul.f32 $8.838834610e-02, v13;
	v55 =	vld [tilespmem:s17+$0x6160];
	v17 =	vadd.f32 v19, v17  }
0xfe: {  	v11 =	vmul.f32 $8.838834610e-02, v11;
	v56 =	vld [tilespmem:s17+$0x6170];
	v7 =	vadd.f32 v18, v7;
	v12 =	vadd.f32 v12, v16  }
0xff: {  	v10 =	vmul.f32 $8.838834610e-02, v10;
	v6 =	vadd.f32 v17, v6;
	v13 =	vadd.f32 v13, v15  }
0x100: {  	v9 =	vmul.f32 $8.838834610e-02, v9;
	[tilespmem:s17+$0x6100] =	vst v7;
	v4 =	vadd.f32 v12, v4;
	v57 =	vadd.f32 v11, v14  }
0x101: {  	v8 =	vmul.f32 $8.838834610e-02, v8;
	[tilespmem:s17+$0x6110] =	vst v6;
	v0 =	vadd.f32 v13, v0;
	v58 =	vadd.f32 v10, v54  }
0x102: {  	v60 =	vadd.f32 v9, v55;
	[tilespmem:s17+$0x6120] =	vst v4;
	v59 =	vadd.f32 v57, v5  }
0x103: {  	v62 =	vadd.f32 v8, v56;
	[tilespmem:s17+$0x6130] =	vst v0;
	v61 =	vadd.f32 v58, v3  }
0x104: {  	v2 =	vadd.f32 v60, v2;
	[tilespmem:s17+$0x6140] =	vst v59  }
0x105: {  	v63 =	vadd.f32 v62, v1;
	[tilespmem:s17+$0x6150] =	vst v61  }
0x106: {  	[tilespmem:s17+$0x6160] =	vst v2  }
0x107: {  	[tilespmem:s17+$0x6170] =	vst v63  }
0x108: {  	[hbm4b:s15+s4] =	stream.linear.scatter [tilespmem:s26], [sflag:$0xB], $0x2000, $0x38;
	[tilespmem:$0x12200] =	vst v63  }
0x109: {  	_ =	swait.ge [sflag:s7], $0x2000  }
0x10a: {  	[sflag:s7] =	ssyncset.done $0x0  }
0x10b: {  	[sflag:s7] =	ssyncadd.s32 $0xFFFFE000  }
0x10c: {  	_ =	swait.ge [sflag:s7], $0x2000  }
0x10d: {  	[sflag:s7] =	ssyncset.done $0x0  }
0x10e: {  	s8 =	sadd.s32 $0x1, s8;
	[sflag:s7] =	ssyncadd.s32 $0xFFFFE000  }
0x10f: {  	p0 =	sne.s32 s8, s16;
	_ =	swait.ge [sflag:s7], $0x2000  }
.Ltmp4:
0x110: {  	[sflag:s7] =	ssyncset.done $0x0;
	(pc) =	sbr.rel @p0 .LBB2_1-.Ltmp4, $4  }
0x111: {  	[sflag:s7] =	ssyncadd.s32 $0xFFFFE000  }
0x112: {  	_ =	swait.ge [sflag:s7], $0x2000  }
0x113: {  	[sflag:s7] =	ssyncset.done $0x0  }
0x114: {  	[sflag:s7] =	ssyncadd.s32 $0xFFFFE000  }
0x115: {  	_ =	sfence.sel $0x180000  }
0x116: {  	[bflag:$0x0] =	sbarrier.arrive $0xFFFF  }
0x117: {  	_ =	strace $0x90000047  }
0x118: {  	s0 =	stileid.u32;
	[bflag:$0x2] =	sbarrier.arrive $0xFFFF  }
0x119: {  	p0 =	sne.s32 s0, $0x0;
	s0 =	rddreg [dreg:$0x7]  }
0x11a: {  	s0 =	sadd.s32 @!p0 $0x100000, s0  }
0x11b: {  	[sflag:s0] =	ssyncadd.tile.s32 @!p0 $0x1;
	_ =	shalt  }
.Lfunc_end2:
_tile_overlayer_lowered:
.L_overlay_start_2:
0x11c: {  	(tag) =	ssettag $0x2  }
0x11d: {  	s0 =	rddreg [dreg:$0x0];
	s2 =	stileid.u32  }
0x11e: {  	s1 =	rddreg [dreg:$0x1];
	p0 =	sne.s32 s2, $0x0  }
0x11f: {  	s3 =	rddreg [dreg:$0x2];
	[bflag:$0x3] =	sbarrier.arrive $0xFFFF;
	s2 =	simm.s32 @!p0 $0x1C0C  }
0x120: {  	[timem:s3], [sflag:s2] =	dma.local @!p0 [hbm:s0], s1  }
0x121: {  	s0 =	simm.s32 @!p0 $0xC  }
0x122: {  	_ =	swait.ge @!p0 [sflag:s0], s1  }
0x123: {  	s1 =	ssub.s32 @!p0 $0x0, s1;
	[sflag:s0] =	ssyncset.done @!p0 $0x0  }
0x124: {  	[sflag:s0] =	ssyncadd.s32 @!p0 s1  }
0x125: {  	[bflag:$0x3] =	sbarrier.arrive $0xFFFF  }
0x126: {  	_ =	shalt  }

</sc_bundles>
